<compile_context>
chip_gen: v7x
topology: tpu7x:2x2x1
jax: 0.10.2.dev20260603
libtpu: 0.0.44.dev20260713+nightly
codegen_flags: <defaults>
</compile_context>

<pallas_src>
import functools

import jax
import jax.numpy as jnp
from jax import lax
from jax.experimental import pallas as pl
from jax.experimental.pallas import tpu as pltpu
from jax.experimental.pallas import tpu_sc as plsc

_NC = 2
_NS = 16
_NW = _NC * _NS
_NBUF = 8
_LANES = 16


def _make_lookup(B, V, D):
    b_per_w = B // _NW
    half = b_per_w // 2

    mesh = plsc.VectorSubcoreMesh(core_axis_name="c", subcore_axis_name="s")

    @functools.partial(
        pl.kernel,
        mesh=mesh,
        out_type=jax.ShapeDtypeStruct((D, B), jnp.float32),
        scratch_types=[
            pltpu.VMEM((b_per_w + _LANES,), jnp.int32),
            pltpu.VMEM((_NBUF, D, 128), jnp.float32),
            pltpu.VMEM((D, half), jnp.float32),
        ]
        + [pltpu.SemaphoreType.DMA] * _NBUF,
        compiler_params=pltpu.CompilerParams(needs_layout_passes=False),
    )
    def emb_lookup(idx_hbm, tableT_hbm, outT_hbm, idx_v, blocks_v, cols_v, *sems):
        wid = lax.axis_index("s") * _NC + lax.axis_index("c")
        base = wid * b_per_w
        pltpu.sync_copy(
            idx_hbm.at[pl.ds(base, b_per_w)], idx_v.at[pl.ds(0, b_per_w)]
        )

        def fetch(i, b):
            s = idx_v[pl.ds(i, _LANES)][0]
            cb = pl.multiple_of(s - lax.rem(s, 128), 128)
            pltpu.async_copy(
                tableT_hbm.at[:, pl.ds(cb, 128)], blocks_v.at[b], sems[b]
            )

        for b in range(_NBUF):
            fetch(b, b)

        def consume(i, b):
            @pl.when(i == half)
            def _():
                pltpu.sync_copy(cols_v, outT_hbm.at[:, pl.ds(base, half)])

            pltpu.make_async_copy(
                tableT_hbm.at[:, pl.ds(0, 128)], blocks_v.at[b], sems[b]
            ).wait()
            s = idx_v[pl.ds(i, _LANES)][0]
            lane = lax.rem(s, 128)
            col = lax.broadcast(lane, (_LANES,))
            icol = lax.broadcast(lax.rem(i, half), (_LANES,))
            for c in range(D // _LANES):
                row = lax.iota(jnp.int32, _LANES) + c * _LANES
                vec = plsc.load_gather(blocks_v.at[b], [row, col])
                plsc.store_scatter(cols_v, [row, icol], vec)

            @pl.when(i + _NBUF < b_per_w)
            def _():
                fetch(i + _NBUF, b)

        n_groups = b_per_w // _NBUF
        tail = b_per_w - n_groups * _NBUF

        def group(g, carry):
            for b in range(_NBUF):
                consume(g * _NBUF + b, b)
            return carry

        lax.fori_loop(0, n_groups, group, 0)
        for t in range(tail):
            consume(n_groups * _NBUF + t, (n_groups * _NBUF + t) % _NBUF)
        pltpu.sync_copy(cols_v, outT_hbm.at[:, pl.ds(base + half, half)])

    return emb_lookup


def kernel(inp, table):
    (B,) = inp.shape
    V, D = table.shape
    outT = _make_lookup(B, V, D)(inp.astype(jnp.int32), table.T)
    return outT.T

# --- scband reference (transcript-rebuilt; emitter-appended) ---
"""Pipeline reference for scband-discrete-emb-mapping-89756226552489 (READ-ONLY COPY).

The authoritative reference and input builder live on the scoring server;
editing this copy changes nothing except your own understanding.
"""

import jax, jax.numpy as jnp
import numpy as np

VOCAB = 1000000
EMB_DIM = 64
BATCH = 16384

def setup_inputs(seed: int = 0) -> dict:
    key = jax.random.key(seed)
    k_idx, k_tab = jax.random.split(key)
    inp = jax.random.randint(k_idx, (BATCH,), 0, VOCAB, dtype=jnp.int64 if jax.config.read('jax_enable_x64') else jnp.int32)
    table = jax.random.normal(k_tab, (VOCAB, EMB_DIM), dtype=jnp.float32)
    return {"inp": inp, "table": table}

def reference(inp, table):
    # _validate_inp: assert (inp >= 0).all() and (inp <= inp_dim).all() -- no-op transform
    # _embed: Embedding lookup
    emb = jnp.take(table, inp, axis=0)
    # _validate_emb: if 1-D, unsqueeze(0); here emb is already [B, emb_dim]
    if emb.ndim == 1:
        emb = emb[None, :]
    return emb

if __name__ == "__main__":
    import jax
    _d = setup_inputs()
    print(jax.jit(kernel)(*tuple(_d.values())))

</pallas_src>

<mosaic_0001>
#map = affine_map<(d0, d1) -> (0)>
#map1 = affine_map<(d0, d1) -> (0, 0)>
module attributes {stable_mosaic.version = 14 : i64} {
  func.func @emb_lookup(%arg0: i32, %arg1: i32, %arg2: memref<16384xi32, #tpu.memory_space<hbm>>, %arg3: memref<64x1000000xf32, #tpu.memory_space<hbm>>, %arg4: memref<64x16384xf32, #tpu.memory_space<hbm>>, %arg5: memref<528xi32, #tpu.memory_space<vmem>>, %arg6: memref<8x64x128xf32, #tpu.memory_space<vmem>>, %arg7: memref<64x256xf32, #tpu.memory_space<vmem>>, %arg8: memref<!tpu.dma_semaphore, #tpu.memory_space<semaphore_mem>>, %arg9: memref<!tpu.dma_semaphore, #tpu.memory_space<semaphore_mem>>, %arg10: memref<!tpu.dma_semaphore, #tpu.memory_space<semaphore_mem>>, %arg11: memref<!tpu.dma_semaphore, #tpu.memory_space<semaphore_mem>>, %arg12: memref<!tpu.dma_semaphore, #tpu.memory_space<semaphore_mem>>, %arg13: memref<!tpu.dma_semaphore, #tpu.memory_space<semaphore_mem>>, %arg14: memref<!tpu.dma_semaphore, #tpu.memory_space<semaphore_mem>>, %arg15: memref<!tpu.dma_semaphore, #tpu.memory_space<semaphore_mem>>) attributes {dimension_semantics = [#tpu.dimension_semantics<core_parallel>, #tpu.dimension_semantics<subcore_parallel>], iteration_bounds = array<i64: 2, 16>, scalar_prefetch = 0 : i64, scratch_operands = 11 : i64, tpu.core_type = #tpu.core_type<sc_vector_subcore>, window_params = [{transform_indices = #map}, {transform_indices = #map1}, {transform_indices = #map1}]} {
    %mul3A = arith.constant 2 : i32
    %mul3A_0 = arith.muli %arg1, %mul3A : i32
    %add3A = arith.addi %mul3A_0, %arg0 : i32
    %mul3A_1 = arith.constant 512 : i32
    %mul3A_2 = arith.muli %add3A, %mul3A_1 : i32
    "tpu.region"() ({
      %run_scoped3A = tpu.sem_alloc : memref<!tpu.dma_semaphore, #tpu.memory_space<semaphore_mem>>
      %dma_start3A_171 = arith.constant 0 : i32
      %dma_start3A_172 = tpu.memref_slice %arg5[%dma_start3A_171] : memref<528xi32, #tpu.memory_space<vmem>> -> memref<512xi32, #tpu.memory_space<vmem>>
      %dma_start3A_173 = tpu.memref_slice %arg2[%mul3A_2] : memref<16384xi32, #tpu.memory_space<hbm>> -> memref<512xi32, #tpu.memory_space<hbm>>
      %dma_start3A_174 = arith.constant 0 : i32
      %dma_start3A_175 = tpu.memref_slice %arg5[%dma_start3A_174] : memref<528xi32, #tpu.memory_space<vmem>> -> memref<512xi32, #tpu.memory_space<vmem>>
      %dma_start3A_176 = tpu.memref_slice %arg2[%mul3A_2] : memref<16384xi32, #tpu.memory_space<hbm>> -> memref<512xi32, #tpu.memory_space<hbm>>
      tpu.enqueue_dma source(%dma_start3A_176 : memref<512xi32, #tpu.memory_space<hbm>>) target(%dma_start3A_175 : memref<512xi32, #tpu.memory_space<vmem>>) target_semaphore(%run_scoped3A : memref<!tpu.dma_semaphore, #tpu.memory_space<semaphore_mem>>)
      %dma_wait3A = arith.constant 0 : i32
      %dma_wait3A_177 = tpu.memref_slice %arg5[%dma_wait3A] : memref<528xi32, #tpu.memory_space<vmem>> -> memref<512xi32, #tpu.memory_space<vmem>>
      %dma_wait3A_178 = tpu.memref_slice %arg2[%mul3A_2] : memref<16384xi32, #tpu.memory_space<hbm>> -> memref<512xi32, #tpu.memory_space<hbm>>
      %dma_wait3A_179 = arith.constant 0 : i32
      %dma_wait3A_180 = tpu.memref_slice %arg5[%dma_wait3A_179] : memref<528xi32, #tpu.memory_space<vmem>> -> memref<512xi32, #tpu.memory_space<vmem>>
      %dma_wait3A_181 = tpu.memref_slice %arg2[%mul3A_2] : memref<16384xi32, #tpu.memory_space<hbm>> -> memref<512xi32, #tpu.memory_space<hbm>>
      tpu.wait_dma2 semaphore(%run_scoped3A : memref<!tpu.dma_semaphore, #tpu.memory_space<semaphore_mem>>) src(%dma_wait3A_181 : memref<512xi32, #tpu.memory_space<hbm>>) dst(%dma_wait3A_180 : memref<512xi32, #tpu.memory_space<vmem>>)
      tpu.yield
    }) : () -> ()
    %get3A = arith.constant 0 : index
    %get3A_3 = tpu.vector_load %arg5[%get3A] {strides = array<i32>} : memref<528xi32, #tpu.memory_space<vmem>>, vector<16xi32>,
    %slice3A = vector.extract_strided_slice %get3A_3 {offsets = [0], sizes = [1], strides = [1]} : vector<16xi32> to vector<1xi32>
    %squeeze3A = vector.extract %slice3A[0] : i32 from vector<1xi32>
    %rem3A = arith.constant 128 : i32
    %rem3A_4 = arith.remsi %squeeze3A, %rem3A : i32
    %sub3A = arith.subi %squeeze3A, %rem3A_4 : i32
    %multiple_of3A = tpu.assume_multiple %sub3A, 128 : i32
    %dma_start3A = arith.constant 0 : i32
    %dma_start3A_5 = arith.constant 0 : i32
    %dma_start3A_6 = arith.constant 0 : i32
    %dma_start3A_7 = tpu.memref_slice %arg6[%dma_start3A, %dma_start3A_5, %dma_start3A_6] : memref<8x64x128xf32, #tpu.memory_space<vmem>> -> memref<1x64x128xf32, #tpu.memory_space<vmem>>
    %dma_start3A_8 = tpu.memref_squeeze %dma_start3A_7 : memref<1x64x128xf32, #tpu.memory_space<vmem>> -> memref<64x128xf32, #tpu.memory_space<vmem>>
    %dma_start3A_9 = arith.constant 0 : i32
    %dma_start3A_10 = tpu.memref_slice %arg3[%dma_start3A_9, %multiple_of3A] : memref<64x1000000xf32, #tpu.memory_space<hbm>> -> memref<64x128xf32, #tpu.memory_space<hbm>>
    %dma_start3A_11 = arith.constant 0 : i32
    %dma_start3A_12 = arith.constant 0 : i32
    %dma_start3A_13 = tpu.memref_slice %arg6[%dma_start3A, %dma_start3A_11, %dma_start3A_12] : memref<8x64x128xf32, #tpu.memory_space<vmem>> -> memref<1x64x128xf32, #tpu.memory_space<vmem>>
    %dma_start3A_14 = tpu.memref_squeeze %dma_start3A_13 : memref<1x64x128xf32, #tpu.memory_space<vmem>> -> memref<64x128xf32, #tpu.memory_space<vmem>>
    %dma_start3A_15 = arith.constant 0 : i32
    %dma_start3A_16 = tpu.memref_slice %arg3[%dma_start3A_15, %multiple_of3A] : memref<64x1000000xf32, #tpu.memory_space<hbm>> -> memref<64x128xf32, #tpu.memory_space<hbm>>
    tpu.enqueue_dma source(%dma_start3A_16 : memref<64x128xf32, #tpu.memory_space<hbm>>) target(%dma_start3A_14 : memref<64x128xf32, #tpu.memory_space<vmem>>) target_semaphore(%arg8 : memref<!tpu.dma_semaphore, #tpu.memory_space<semaphore_mem>>)
    %get3A_17 = arith.constant 1 : index
    %get3A_18 = tpu.vector_load %arg5[%get3A_17] {strides = array<i32>} : memref<528xi32, #tpu.memory_space<vmem>>, vector<16xi32>,
    %slice3A_19 = vector.extract_strided_slice %get3A_18 {offsets = [0], sizes = [1], strides = [1]} : vector<16xi32> to vector<1xi32>
    %squeeze3A_20 = vector.extract %slice3A_19[0] : i32 from vector<1xi32>
    %rem3A_21 = arith.constant 128 : i32
    %rem3A_22 = arith.remsi %squeeze3A_20, %rem3A_21 : i32
    %sub3A_23 = arith.subi %squeeze3A_20, %rem3A_22 : i32
    %multiple_of3A_24 = tpu.assume_multiple %sub3A_23, 128 : i32
    %dma_start3A_25 = arith.constant 1 : i32
    %dma_start3A_26 = arith.constant 0 : i32
    %dma_start3A_27 = arith.constant 0 : i32
    %dma_start3A_28 = tpu.memref_slice %arg6[%dma_start3A_25, %dma_start3A_26, %dma_start3A_27] : memref<8x64x128xf32, #tpu.memory_space<vmem>> -> memref<1x64x128xf32, #tpu.memory_space<vmem>>
    %dma_start3A_29 = tpu.memref_squeeze %dma_start3A_28 : memref<1x64x128xf32, #tpu.memory_space<vmem>> -> memref<64x128xf32, #tpu.memory_space<vmem>>
    %dma_start3A_30 = arith.constant 0 : i32
    %dma_start3A_31 = tpu.memref_slice %arg3[%dma_start3A_30, %multiple_of3A_24] : memref<64x1000000xf32, #tpu.memory_space<hbm>> -> memref<64x128xf32, #tpu.memory_space<hbm>>
    %dma_start3A_32 = arith.constant 0 : i32
    %dma_start3A_33 = arith.constant 0 : i32
    %dma_start3A_34 = tpu.memref_slice %arg6[%dma_start3A_25, %dma_start3A_32, %dma_start3A_33] : memref<8x64x128xf32, #tpu.memory_space<vmem>> -> memref<1x64x128xf32, #tpu.memory_space<vmem>>
    %dma_start3A_35 = tpu.memref_squeeze %dma_start3A_34 : memref<1x64x128xf32, #tpu.memory_space<vmem>> -> memref<64x128xf32, #tpu.memory_space<vmem>>
    %dma_start3A_36 = arith.constant 0 : i32
    %dma_start3A_37 = tpu.memref_slice %arg3[%dma_start3A_36, %multiple_of3A_24] : memref<64x1000000xf32, #tpu.memory_space<hbm>> -> memref<64x128xf32, #tpu.memory_space<hbm>>
    tpu.enqueue_dma source(%dma_start3A_37 : memref<64x128xf32, #tpu.memory_space<hbm>>) target(%dma_start3A_35 : memref<64x128xf32, #tpu.memory_space<vmem>>) target_semaphore(%arg9 : memref<!tpu.dma_semaphore, #tpu.memory_space<semaphore_mem>>)
    %get3A_38 = arith.constant 2 : index
    %get3A_39 = tpu.vector_load %arg5[%get3A_38] {strides = array<i32>} : memref<528xi32, #tpu.memory_space<vmem>>, vector<16xi32>,
    %slice3A_40 = vector.extract_strided_slice %get3A_39 {offsets = [0], sizes = [1], strides = [1]} : vector<16xi32> to vector<1xi32>
    %squeeze3A_41 = vector.extract %slice3A_40[0] : i32 from vector<1xi32>
    %rem3A_42 = arith.constant 128 : i32
    %rem3A_43 = arith.remsi %squeeze3A_41, %rem3A_42 : i32
    %sub3A_44 = arith.subi %squeeze3A_41, %rem3A_43 : i32
    %multiple_of3A_45 = tpu.assume_multiple %sub3A_44, 128 : i32
    %dma_start3A_46 = arith.constant 2 : i32
    %dma_start3A_47 = arith.constant 0 : i32
    %dma_start3A_48 = arith.constant 0 : i32
    %dma_start3A_49 = tpu.memref_slice %arg6[%dma_start3A_46, %dma_start3A_47, %dma_start3A_48] : memref<8x64x128xf32, #tpu.memory_space<vmem>> -> memref<1x64x128xf32, #tpu.memory_space<vmem>>
    %dma_start3A_50 = tpu.memref_squeeze %dma_start3A_49 : memref<1x64x128xf32, #tpu.memory_space<vmem>> -> memref<64x128xf32, #tpu.memory_space<vmem>>
    %dma_start3A_51 = arith.constant 0 : i32
    %dma_start3A_52 = tpu.memref_slice %arg3[%dma_start3A_51, %multiple_of3A_45] : memref<64x1000000xf32, #tpu.memory_space<hbm>> -> memref<64x128xf32, #tpu.memory_space<hbm>>
    %dma_start3A_53 = arith.constant 0 : i32
    %dma_start3A_54 = arith.constant 0 : i32
    %dma_start3A_55 = tpu.memref_slice %arg6[%dma_start3A_46, %dma_start3A_53, %dma_start3A_54] : memref<8x64x128xf32, #tpu.memory_space<vmem>> -> memref<1x64x128xf32, #tpu.memory_space<vmem>>
    %dma_start3A_56 = tpu.memref_squeeze %dma_start3A_55 : memref<1x64x128xf32, #tpu.memory_space<vmem>> -> memref<64x128xf32, #tpu.memory_space<vmem>>
    %dma_start3A_57 = arith.constant 0 : i32
    %dma_start3A_58 = tpu.memref_slice %arg3[%dma_start3A_57, %multiple_of3A_45] : memref<64x1000000xf32, #tpu.memory_space<hbm>> -> memref<64x128xf32, #tpu.memory_space<hbm>>
    tpu.enqueue_dma source(%dma_start3A_58 : memref<64x128xf32, #tpu.memory_space<hbm>>) target(%dma_start3A_56 : memref<64x128xf32, #tpu.memory_space<vmem>>) target_semaphore(%arg10 : memref<!tpu.dma_semaphore, #tpu.memory_space<semaphore_mem>>)
    %get3A_59 = arith.constant 3 : index
    %get3A_60 = tpu.vector_load %arg5[%get3A_59] {strides = array<i32>} : memref<528xi32, #tpu.memory_space<vmem>>, vector<16xi32>,
    %slice3A_61 = vector.extract_strided_slice %get3A_60 {offsets = [0], sizes = [1], strides = [1]} : vector<16xi32> to vector<1xi32>
    %squeeze3A_62 = vector.extract %slice3A_61[0] : i32 from vector<1xi32>
    %rem3A_63 = arith.constant 128 : i32
    %rem3A_64 = arith.remsi %squeeze3A_62, %rem3A_63 : i32
    %sub3A_65 = arith.subi %squeeze3A_62, %rem3A_64 : i32
    %multiple_of3A_66 = tpu.assume_multiple %sub3A_65, 128 : i32
    %dma_start3A_67 = arith.constant 3 : i32
    %dma_start3A_68 = arith.constant 0 : i32
    %dma_start3A_69 = arith.constant 0 : i32
    %dma_start3A_70 = tpu.memref_slice %arg6[%dma_start3A_67, %dma_start3A_68, %dma_start3A_69] : memref<8x64x128xf32, #tpu.memory_space<vmem>> -> memref<1x64x128xf32, #tpu.memory_space<vmem>>
    %dma_start3A_71 = tpu.memref_squeeze %dma_start3A_70 : memref<1x64x128xf32, #tpu.memory_space<vmem>> -> memref<64x128xf32, #tpu.memory_space<vmem>>
    %dma_start3A_72 = arith.constant 0 : i32
    %dma_start3A_73 = tpu.memref_slice %arg3[%dma_start3A_72, %multiple_of3A_66] : memref<64x1000000xf32, #tpu.memory_space<hbm>> -> memref<64x128xf32, #tpu.memory_space<hbm>>
    %dma_start3A_74 = arith.constant 0 : i32
    %dma_start3A_75 = arith.constant 0 : i32
    %dma_start3A_76 = tpu.memref_slice %arg6[%dma_start3A_67, %dma_start3A_74, %dma_start3A_75] : memref<8x64x128xf32, #tpu.memory_space<vmem>> -> memref<1x64x128xf32, #tpu.memory_space<vmem>>
    %dma_start3A_77 = tpu.memref_squeeze %dma_start3A_76 : memref<1x64x128xf32, #tpu.memory_space<vmem>> -> memref<64x128xf32, #tpu.memory_space<vmem>>
    %dma_start3A_78 = arith.constant 0 : i32
    %dma_start3A_79 = tpu.memref_slice %arg3[%dma_start3A_78, %multiple_of3A_66] : memref<64x1000000xf32, #tpu.memory_space<hbm>> -> memref<64x128xf32, #tpu.memory_space<hbm>>
    tpu.enqueue_dma source(%dma_start3A_79 : memref<64x128xf32, #tpu.memory_space<hbm>>) target(%dma_start3A_77 : memref<64x128xf32, #tpu.memory_space<vmem>>) target_semaphore(%arg11 : memref<!tpu.dma_semaphore, #tpu.memory_space<semaphore_mem>>)
    %get3A_80 = arith.constant 4 : index
    %get3A_81 = tpu.vector_load %arg5[%get3A_80] {strides = array<i32>} : memref<528xi32, #tpu.memory_space<vmem>>, vector<16xi32>,
    %slice3A_82 = vector.extract_strided_slice %get3A_81 {offsets = [0], sizes = [1], strides = [1]} : vector<16xi32> to vector<1xi32>
    %squeeze3A_83 = vector.extract %slice3A_82[0] : i32 from vector<1xi32>
    %rem3A_84 = arith.constant 128 : i32
    %rem3A_85 = arith.remsi %squeeze3A_83, %rem3A_84 : i32
    %sub3A_86 = arith.subi %squeeze3A_83, %rem3A_85 : i32
    %multiple_of3A_87 = tpu.assume_multiple %sub3A_86, 128 : i32
    %dma_start3A_88 = arith.constant 4 : i32
    %dma_start3A_89 = arith.constant 0 : i32
    %dma_start3A_90 = arith.constant 0 : i32
    %dma_start3A_91 = tpu.memref_slice %arg6[%dma_start3A_88, %dma_start3A_89, %dma_start3A_90] : memref<8x64x128xf32, #tpu.memory_space<vmem>> -> memref<1x64x128xf32, #tpu.memory_space<vmem>>
    %dma_start3A_92 = tpu.memref_squeeze %dma_start3A_91 : memref<1x64x128xf32, #tpu.memory_space<vmem>> -> memref<64x128xf32, #tpu.memory_space<vmem>>
    %dma_start3A_93 = arith.constant 0 : i32
    %dma_start3A_94 = tpu.memref_slice %arg3[%dma_start3A_93, %multiple_of3A_87] : memref<64x1000000xf32, #tpu.memory_space<hbm>> -> memref<64x128xf32, #tpu.memory_space<hbm>>
    %dma_start3A_95 = arith.constant 0 : i32
    %dma_start3A_96 = arith.constant 0 : i32
    %dma_start3A_97 = tpu.memref_slice %arg6[%dma_start3A_88, %dma_start3A_95, %dma_start3A_96] : memref<8x64x128xf32, #tpu.memory_space<vmem>> -> memref<1x64x128xf32, #tpu.memory_space<vmem>>
    %dma_start3A_98 = tpu.memref_squeeze %dma_start3A_97 : memref<1x64x128xf32, #tpu.memory_space<vmem>> -> memref<64x128xf32, #tpu.memory_space<vmem>>
    %dma_start3A_99 = arith.constant 0 : i32
    %dma_start3A_100 = tpu.memref_slice %arg3[%dma_start3A_99, %multiple_of3A_87] : memref<64x1000000xf32, #tpu.memory_space<hbm>> -> memref<64x128xf32, #tpu.memory_space<hbm>>
    tpu.enqueue_dma source(%dma_start3A_100 : memref<64x128xf32, #tpu.memory_space<hbm>>) target(%dma_start3A_98 : memref<64x128xf32, #tpu.memory_space<vmem>>) target_semaphore(%arg12 : memref<!tpu.dma_semaphore, #tpu.memory_space<semaphore_mem>>)
    %get3A_101 = arith.constant 5 : index
    %get3A_102 = tpu.vector_load %arg5[%get3A_101] {strides = array<i32>} : memref<528xi32, #tpu.memory_space<vmem>>, vector<16xi32>,
    %slice3A_103 = vector.extract_strided_slice %get3A_102 {offsets = [0], sizes = [1], strides = [1]} : vector<16xi32> to vector<1xi32>
    %squeeze3A_104 = vector.extract %slice3A_103[0] : i32 from vector<1xi32>
    %rem3A_105 = arith.constant 128 : i32
    %rem3A_106 = arith.remsi %squeeze3A_104, %rem3A_105 : i32
    %sub3A_107 = arith.subi %squeeze3A_104, %rem3A_106 : i32
    %multiple_of3A_108 = tpu.assume_multiple %sub3A_107, 128 : i32
    %dma_start3A_109 = arith.constant 5 : i32
    %dma_start3A_110 = arith.constant 0 : i32
    %dma_start3A_111 = arith.constant 0 : i32
    %dma_start3A_112 = tpu.memref_slice %arg6[%dma_start3A_109, %dma_start3A_110, %dma_start3A_111] : memref<8x64x128xf32, #tpu.memory_space<vmem>> -> memref<1x64x128xf32, #tpu.memory_space<vmem>>
    %dma_start3A_113 = tpu.memref_squeeze %dma_start3A_112 : memref<1x64x128xf32, #tpu.memory_space<vmem>> -> memref<64x128xf32, #tpu.memory_space<vmem>>
    %dma_start3A_114 = arith.constant 0 : i32
    %dma_start3A_115 = tpu.memref_slice %arg3[%dma_start3A_114, %multiple_of3A_108] : memref<64x1000000xf32, #tpu.memory_space<hbm>> -> memref<64x128xf32, #tpu.memory_space<hbm>>
    %dma_start3A_116 = arith.constant 0 : i32
    %dma_start3A_117 = arith.constant 0 : i32
    %dma_start3A_118 = tpu.memref_slice %arg6[%dma_start3A_109, %dma_start3A_116, %dma_start3A_117] : memref<8x64x128xf32, #tpu.memory_space<vmem>> -> memref<1x64x128xf32, #tpu.memory_space<vmem>>
    %dma_start3A_119 = tpu.memref_squeeze %dma_start3A_118 : memref<1x64x128xf32, #tpu.memory_space<vmem>> -> memref<64x128xf32, #tpu.memory_space<vmem>>
    %dma_start3A_120 = arith.constant 0 : i32
    %dma_start3A_121 = tpu.memref_slice %arg3[%dma_start3A_120, %multiple_of3A_108] : memref<64x1000000xf32, #tpu.memory_space<hbm>> -> memref<64x128xf32, #tpu.memory_space<hbm>>
    tpu.enqueue_dma source(%dma_start3A_121 : memref<64x128xf32, #tpu.memory_space<hbm>>) target(%dma_start3A_119 : memref<64x128xf32, #tpu.memory_space<vmem>>) target_semaphore(%arg13 : memref<!tpu.dma_semaphore, #tpu.memory_space<semaphore_mem>>)
    %get3A_122 = arith.constant 6 : index
    %get3A_123 = tpu.vector_load %arg5[%get3A_122] {strides = array<i32>} : memref<528xi32, #tpu.memory_space<vmem>>, vector<16xi32>,
    %slice3A_124 = vector.extract_strided_slice %get3A_123 {offsets = [0], sizes = [1], strides = [1]} : vector<16xi32> to vector<1xi32>
    %squeeze3A_125 = vector.extract %slice3A_124[0] : i32 from vector<1xi32>
    %rem3A_126 = arith.constant 128 : i32
    %rem3A_127 = arith.remsi %squeeze3A_125, %rem3A_126 : i32
    %sub3A_128 = arith.subi %squeeze3A_125, %rem3A_127 : i32
    %multiple_of3A_129 = tpu.assume_multiple %sub3A_128, 128 : i32
    %dma_start3A_130 = arith.constant 6 : i32
    %dma_start3A_131 = arith.constant 0 : i32
    %dma_start3A_132 = arith.constant 0 : i32
    %dma_start3A_133 = tpu.memref_slice %arg6[%dma_start3A_130, %dma_start3A_131, %dma_start3A_132] : memref<8x64x128xf32, #tpu.memory_space<vmem>> -> memref<1x64x128xf32, #tpu.memory_space<vmem>>
    %dma_start3A_134 = tpu.memref_squeeze %dma_start3A_133 : memref<1x64x128xf32, #tpu.memory_space<vmem>> -> memref<64x128xf32, #tpu.memory_space<vmem>>
    %dma_start3A_135 = arith.constant 0 : i32
    %dma_start3A_136 = tpu.memref_slice %arg3[%dma_start3A_135, %multiple_of3A_129] : memref<64x1000000xf32, #tpu.memory_space<hbm>> -> memref<64x128xf32, #tpu.memory_space<hbm>>
    %dma_start3A_137 = arith.constant 0 : i32
    %dma_start3A_138 = arith.constant 0 : i32
    %dma_start3A_139 = tpu.memref_slice %arg6[%dma_start3A_130, %dma_start3A_137, %dma_start3A_138] : memref<8x64x128xf32, #tpu.memory_space<vmem>> -> memref<1x64x128xf32, #tpu.memory_space<vmem>>
    %dma_start3A_140 = tpu.memref_squeeze %dma_start3A_139 : memref<1x64x128xf32, #tpu.memory_space<vmem>> -> memref<64x128xf32, #tpu.memory_space<vmem>>
    %dma_start3A_141 = arith.constant 0 : i32
    %dma_start3A_142 = tpu.memref_slice %arg3[%dma_start3A_141, %multiple_of3A_129] : memref<64x1000000xf32, #tpu.memory_space<hbm>> -> memref<64x128xf32, #tpu.memory_space<hbm>>
    tpu.enqueue_dma source(%dma_start3A_142 : memref<64x128xf32, #tpu.memory_space<hbm>>) target(%dma_start3A_140 : memref<64x128xf32, #tpu.memory_space<vmem>>) target_semaphore(%arg14 : memref<!tpu.dma_semaphore, #tpu.memory_space<semaphore_mem>>)
    %get3A_143 = arith.constant 7 : index
    %get3A_144 = tpu.vector_load %arg5[%get3A_143] {strides = array<i32>} : memref<528xi32, #tpu.memory_space<vmem>>, vector<16xi32>,
    %slice3A_145 = vector.extract_strided_slice %get3A_144 {offsets = [0], sizes = [1], strides = [1]} : vector<16xi32> to vector<1xi32>
    %squeeze3A_146 = vector.extract %slice3A_145[0] : i32 from vector<1xi32>
    %rem3A_147 = arith.constant 128 : i32
    %rem3A_148 = arith.remsi %squeeze3A_146, %rem3A_147 : i32
    %sub3A_149 = arith.subi %squeeze3A_146, %rem3A_148 : i32
    %multiple_of3A_150 = tpu.assume_multiple %sub3A_149, 128 : i32
    %dma_start3A_151 = arith.constant 7 : i32
    %dma_start3A_152 = arith.constant 0 : i32
    %dma_start3A_153 = arith.constant 0 : i32
    %dma_start3A_154 = tpu.memref_slice %arg6[%dma_start3A_151, %dma_start3A_152, %dma_start3A_153] : memref<8x64x128xf32, #tpu.memory_space<vmem>> -> memref<1x64x128xf32, #tpu.memory_space<vmem>>
    %dma_start3A_155 = tpu.memref_squeeze %dma_start3A_154 : memref<1x64x128xf32, #tpu.memory_space<vmem>> -> memref<64x128xf32, #tpu.memory_space<vmem>>
    %dma_start3A_156 = arith.constant 0 : i32
    %dma_start3A_157 = tpu.memref_slice %arg3[%dma_start3A_156, %multiple_of3A_150] : memref<64x1000000xf32, #tpu.memory_space<hbm>> -> memref<64x128xf32, #tpu.memory_space<hbm>>
    %dma_start3A_158 = arith.constant 0 : i32
    %dma_start3A_159 = arith.constant 0 : i32
    %dma_start3A_160 = tpu.memref_slice %arg6[%dma_start3A_151, %dma_start3A_158, %dma_start3A_159] : memref<8x64x128xf32, #tpu.memory_space<vmem>> -> memref<1x64x128xf32, #tpu.memory_space<vmem>>
    %dma_start3A_161 = tpu.memref_squeeze %dma_start3A_160 : memref<1x64x128xf32, #tpu.memory_space<vmem>> -> memref<64x128xf32, #tpu.memory_space<vmem>>
    %dma_start3A_162 = arith.constant 0 : i32
    %dma_start3A_163 = tpu.memref_slice %arg3[%dma_start3A_162, %multiple_of3A_150] : memref<64x1000000xf32, #tpu.memory_space<hbm>> -> memref<64x128xf32, #tpu.memory_space<hbm>>
    tpu.enqueue_dma source(%dma_start3A_163 : memref<64x128xf32, #tpu.memory_space<hbm>>) target(%dma_start3A_161 : memref<64x128xf32, #tpu.memory_space<vmem>>) target_semaphore(%arg15 : memref<!tpu.dma_semaphore, #tpu.memory_space<semaphore_mem>>)
    %scan3A = arith.constant 0 : i32
    %scan3A_164 = arith.constant 0 : i32
    %scan3A_165 = arith.constant 64 : i32
    %scan3A_166 = arith.addi %scan3A_164, %scan3A_165 : i32
    %scan3A_167 = arith.constant 1 : i32
    scf.for %scan3A_171 = %scan3A_164 to %scan3A_166 step %scan3A_167  : i32 {
      %mul3A_172 = arith.constant 8 : i32
      %mul3A_173 = arith.muli %scan3A_171, %mul3A_172 : i32
      %add3A_174 = arith.constant 0 : i32
      %add3A_175 = arith.addi %mul3A_173, %add3A_174 : i32
      %eq3A = arith.constant 256 : i32
      %eq3A_176 = arith.cmpi eq, %add3A_175, %eq3A : i32
      %convert_element_type3A = arith.extui %eq3A_176 : i1 to i32
      %cond3A = arith.constant 0 : i32
      %cond3A_177 = arith.cmpi ne, %convert_element_type3A, %cond3A : i32
      scf.if %cond3A_177 {
        "tpu.region"() ({
          %run_scoped3A = tpu.sem_alloc : memref<!tpu.dma_semaphore, #tpu.memory_space<semaphore_mem>>
          %dma_start3A_812 = arith.constant 0 : i32
          %dma_start3A_813 = tpu.memref_slice %arg4[%dma_start3A_812, %mul3A_2] : memref<64x16384xf32, #tpu.memory_space<hbm>> -> memref<64x256xf32, #tpu.memory_space<hbm>>
          %dma_start3A_814 = arith.constant 0 : i32
          %dma_start3A_815 = tpu.memref_slice %arg4[%dma_start3A_814, %mul3A_2] : memref<64x16384xf32, #tpu.memory_space<hbm>> -> memref<64x256xf32, #tpu.memory_space<hbm>>
          tpu.enqueue_dma source(%arg7 : memref<64x256xf32, #tpu.memory_space<vmem>>) target(%dma_start3A_815 : memref<64x256xf32, #tpu.memory_space<hbm>>) target_semaphore(%run_scoped3A : memref<!tpu.dma_semaphore, #tpu.memory_space<semaphore_mem>>)
          %dma_wait3A_816 = arith.constant 0 : i32
          %dma_wait3A_817 = tpu.memref_slice %arg4[%dma_wait3A_816, %mul3A_2] : memref<64x16384xf32, #tpu.memory_space<hbm>> -> memref<64x256xf32, #tpu.memory_space<hbm>>
          %dma_wait3A_818 = arith.constant 0 : i32
          %dma_wait3A_819 = tpu.memref_slice %arg4[%dma_wait3A_818, %mul3A_2] : memref<64x16384xf32, #tpu.memory_space<hbm>> -> memref<64x256xf32, #tpu.memory_space<hbm>>
          tpu.wait_dma2 semaphore(%run_scoped3A : memref<!tpu.dma_semaphore, #tpu.memory_space<semaphore_mem>>) src(%arg7 : memref<64x256xf32, #tpu.memory_space<vmem>>) dst(%dma_wait3A_819 : memref<64x256xf32, #tpu.memory_space<hbm>>)
          tpu.yield
        }) : () -> ()
      } else {
      }
      %dma_wait3A = arith.constant 0 : i32
      %dma_wait3A_178 = arith.constant 0 : i32
      %dma_wait3A_179 = arith.constant 0 : i32
      %dma_wait3A_180 = tpu.memref_slice %arg6[%dma_wait3A, %dma_wait3A_178, %dma_wait3A_179] : memref<8x64x128xf32, #tpu.memory_space<vmem>> -> memref<1x64x128xf32, #tpu.memory_space<vmem>>
      %dma_wait3A_181 = tpu.memref_squeeze %dma_wait3A_180 : memref<1x64x128xf32, #tpu.memory_space<vmem>> -> memref<64x128xf32, #tpu.memory_space<vmem>>
      %dma_wait3A_182 = arith.constant 0 : i32
      %dma_wait3A_183 = arith.constant 0 : i32
      %dma_wait3A_184 = tpu.memref_slice %arg3[%dma_wait3A_182, %dma_wait3A_183] : memref<64x1000000xf32, #tpu.memory_space<hbm>> -> memref<64x128xf32, #tpu.memory_space<hbm>>
      %dma_wait3A_185 = arith.constant 0 : i32
      %dma_wait3A_186 = arith.constant 0 : i32
      %dma_wait3A_187 = tpu.memref_slice %arg6[%dma_wait3A, %dma_wait3A_185, %dma_wait3A_186] : memref<8x64x128xf32, #tpu.memory_space<vmem>> -> memref<1x64x128xf32, #tpu.memory_space<vmem>>
      %dma_wait3A_188 = tpu.memref_squeeze %dma_wait3A_187 : memref<1x64x128xf32, #tpu.memory_space<vmem>> -> memref<64x128xf32, #tpu.memory_space<vmem>>
      %dma_wait3A_189 = arith.constant 0 : i32
      %dma_wait3A_190 = arith.constant 0 : i32
      %dma_wait3A_191 = tpu.memref_slice %arg3[%dma_wait3A_189, %dma_wait3A_190] : memref<64x1000000xf32, #tpu.memory_space<hbm>> -> memref<64x128xf32, #tpu.memory_space<hbm>>
      tpu.wait_dma2 semaphore(%arg8 : memref<!tpu.dma_semaphore, #tpu.memory_space<semaphore_mem>>) src(%dma_wait3A_191 : memref<64x128xf32, #tpu.memory_space<hbm>>) dst(%dma_wait3A_188 : memref<64x128xf32, #tpu.memory_space<vmem>>)
      %get3A_192 = arith.index_cast %add3A_175 : i32 to index
      %get3A_193 = tpu.vector_load %arg5[%get3A_192] {strides = array<i32>} : memref<528xi32, #tpu.memory_space<vmem>>, vector<16xi32>,
      %slice3A_194 = vector.extract_strided_slice %get3A_193 {offsets = [0], sizes = [1], strides = [1]} : vector<16xi32> to vector<1xi32>
      %squeeze3A_195 = vector.extract %slice3A_194[0] : i32 from vector<1xi32>
      %rem3A_196 = arith.constant 128 : i32
      %rem3A_197 = arith.remsi %squeeze3A_195, %rem3A_196 : i32
      %broadcast_in_dim3A = vector.broadcast %rem3A_197 : i32 to vector<16xi32>
      %rem3A_198 = arith.constant 256 : i32
      %rem3A_199 = arith.remsi %add3A_175, %rem3A_198 : i32
      %broadcast_in_dim3A_200 = vector.broadcast %rem3A_199 : i32 to vector<16xi32>
      %iota3A = tpu.iota {dimensions = array<i32: 0>} : vector<16xi32>
      %add3A_201 = arith.constant 0 : i32
      %add3A_202 = vector.broadcast %add3A_201 : i32 to vector<16xi32>
      %add3A_203 = arith.addi %iota3A, %add3A_202 : vector<16xi32>
      %gather3A = arith.constant 0 : i32
      %gather3A_204 = arith.constant 0 : i32
      %gather3A_205 = arith.constant 0 : i32
      %gather3A_206 = tpu.memref_slice %arg6[%gather3A, %gather3A_204, %gather3A_205] : memref<8x64x128xf32, #tpu.memory_space<vmem>> -> memref<1x64x128xf32, #tpu.memory_space<vmem>>
      %gather3A_207 = tpu.memref_squeeze %gather3A_206 : memref<1x64x128xf32, #tpu.memory_space<vmem>> -> memref<64x128xf32, #tpu.memory_space<vmem>>
      %gather3A_208 = tpu.vector_load_idx %gather3A_207[%add3A_203, %broadcast_in_dim3A] : memref<64x128xf32, #tpu.memory_space<vmem>>[vector<16xi32>, vector<16xi32>], vector<16xf32>,
      tpu.vector_store_idx %arg7[%add3A_203, %broadcast_in_dim3A_200], %gather3A_208 : memref<64x256xf32, #tpu.memory_space<vmem>>[vector<16xi32>, vector<16xi32>], vector<16xf32>,
      %iota3A_209 = tpu.iota {dimensions = array<i32: 0>} : vector<16xi32>
      %add3A_210 = arith.constant 16 : i32
      %add3A_211 = vector.broadcast %add3A_210 : i32 to vector<16xi32>
      %add3A_212 = arith.addi %iota3A_209, %add3A_211 : vector<16xi32>
      %gather3A_213 = arith.constant 0 : i32
      %gather3A_214 = arith.constant 0 : i32
      %gather3A_215 = arith.constant 0 : i32
      %gather3A_216 = tpu.memref_slice %arg6[%gather3A_213, %gather3A_214, %gather3A_215] : memref<8x64x128xf32, #tpu.memory_space<vmem>> -> memref<1x64x128xf32, #tpu.memory_space<vmem>>
      %gather3A_217 = tpu.memref_squeeze %gather3A_216 : memref<1x64x128xf32, #tpu.memory_space<vmem>> -> memref<64x128xf32, #tpu.memory_space<vmem>>
      %gather3A_218 = tpu.vector_load_idx %gather3A_217[%add3A_212, %broadcast_in_dim3A] : memref<64x128xf32, #tpu.memory_space<vmem>>[vector<16xi32>, vector<16xi32>], vector<16xf32>,
      tpu.vector_store_idx %arg7[%add3A_212, %broadcast_in_dim3A_200], %gather3A_218 : memref<64x256xf32, #tpu.memory_space<vmem>>[vector<16xi32>, vector<16xi32>], vector<16xf32>,
      %iota3A_219 = tpu.iota {dimensions = array<i32: 0>} : vector<16xi32>
      %add3A_220 = arith.constant 32 : i32
      %add3A_221 = vector.broadcast %add3A_220 : i32 to vector<16xi32>
      %add3A_222 = arith.addi %iota3A_219, %add3A_221 : vector<16xi32>
      %gather3A_223 = arith.constant 0 : i32
      %gather3A_224 = arith.constant 0 : i32
      %gather3A_225 = arith.constant 0 : i32
      %gather3A_226 = tpu.memref_slice %arg6[%gather3A_223, %gather3A_224, %gather3A_225] : memref<8x64x128xf32, #tpu.memory_space<vmem>> -> memref<1x64x128xf32, #tpu.memory_space<vmem>>
      %gather3A_227 = tpu.memref_squeeze %gather3A_226 : memref<1x64x128xf32, #tpu.memory_space<vmem>> -> memref<64x128xf32, #tpu.memory_space<vmem>>
      %gather3A_228 = tpu.vector_load_idx %gather3A_227[%add3A_222, %broadcast_in_dim3A] : memref<64x128xf32, #tpu.memory_space<vmem>>[vector<16xi32>, vector<16xi32>], vector<16xf32>,
      tpu.vector_store_idx %arg7[%add3A_222, %broadcast_in_dim3A_200], %gather3A_228 : memref<64x256xf32, #tpu.memory_space<vmem>>[vector<16xi32>, vector<16xi32>], vector<16xf32>,
      %iota3A_229 = tpu.iota {dimensions = array<i32: 0>} : vector<16xi32>
      %add3A_230 = arith.constant 48 : i32
      %add3A_231 = vector.broadcast %add3A_230 : i32 to vector<16xi32>
      %add3A_232 = arith.addi %iota3A_229, %add3A_231 : vector<16xi32>
      %gather3A_233 = arith.constant 0 : i32
      %gather3A_234 = arith.constant 0 : i32
      %gather3A_235 = arith.constant 0 : i32
      %gather3A_236 = tpu.memref_slice %arg6[%gather3A_233, %gather3A_234, %gather3A_235] : memref<8x64x128xf32, #tpu.memory_space<vmem>> -> memref<1x64x128xf32, #tpu.memory_space<vmem>>
      %gather3A_237 = tpu.memref_squeeze %gather3A_236 : memref<1x64x128xf32, #tpu.memory_space<vmem>> -> memref<64x128xf32, #tpu.memory_space<vmem>>
      %gather3A_238 = tpu.vector_load_idx %gather3A_237[%add3A_232, %broadcast_in_dim3A] : memref<64x128xf32, #tpu.memory_space<vmem>>[vector<16xi32>, vector<16xi32>], vector<16xf32>,
      tpu.vector_store_idx %arg7[%add3A_232, %broadcast_in_dim3A_200], %gather3A_238 : memref<64x256xf32, #tpu.memory_space<vmem>>[vector<16xi32>, vector<16xi32>], vector<16xf32>,
      %add3A_239 = arith.constant 8 : i32
      %add3A_240 = arith.addi %add3A_175, %add3A_239 : i32
      %lt3A = arith.constant 512 : i32
      %lt3A_241 = arith.cmpi slt, %add3A_240, %lt3A : i32
      %convert_element_type3A_242 = arith.extui %lt3A_241 : i1 to i32
      %cond3A_243 = arith.constant 0 : i32
      %cond3A_244 = arith.cmpi ne, %convert_element_type3A_242, %cond3A_243 : i32
      scf.if %cond3A_244 {
        %add3A_812 = arith.constant 8 : i32
        %add3A_813 = arith.addi %add3A_175, %add3A_812 : i32
        %get3A_814 = arith.index_cast %add3A_813 : i32 to index
        %get3A_815 = tpu.vector_load %arg5[%get3A_814] {strides = array<i32>} : memref<528xi32, #tpu.memory_space<vmem>>, vector<16xi32>,
        %slice3A_816 = vector.extract_strided_slice %get3A_815 {offsets = [0], sizes = [1], strides = [1]} : vector<16xi32> to vector<1xi32>
        %squeeze3A_817 = vector.extract %slice3A_816[0] : i32 from vector<1xi32>
        %rem3A_818 = arith.constant 128 : i32
        %rem3A_819 = arith.remsi %squeeze3A_817, %rem3A_818 : i32
        %sub3A_820 = arith.subi %squeeze3A_817, %rem3A_819 : i32
        %multiple_of3A_821 = tpu.assume_multiple %sub3A_820, 128 : i32
        %dma_start3A_822 = arith.constant 0 : i32
        %dma_start3A_823 = arith.constant 0 : i32
        %dma_start3A_824 = arith.constant 0 : i32
        %dma_start3A_825 = tpu.memref_slice %arg6[%dma_start3A_822, %dma_start3A_823, %dma_start3A_824] : memref<8x64x128xf32, #tpu.memory_space<vmem>> -> memref<1x64x128xf32, #tpu.memory_space<vmem>>
        %dma_start3A_826 = tpu.memref_squeeze %dma_start3A_825 : memref<1x64x128xf32, #tpu.memory_space<vmem>> -> memref<64x128xf32, #tpu.memory_space<vmem>>
        %dma_start3A_827 = arith.constant 0 : i32
        %dma_start3A_828 = tpu.memref_slice %arg3[%dma_start3A_827, %multiple_of3A_821] : memref<64x1000000xf32, #tpu.memory_space<hbm>> -> memref<64x128xf32, #tpu.memory_space<hbm>>
        %dma_start3A_829 = arith.constant 0 : i32
        %dma_start3A_830 = arith.constant 0 : i32
        %dma_start3A_831 = tpu.memref_slice %arg6[%dma_start3A_822, %dma_start3A_829, %dma_start3A_830] : memref<8x64x128xf32, #tpu.memory_space<vmem>> -> memref<1x64x128xf32, #tpu.memory_space<vmem>>
        %dma_start3A_832 = tpu.memref_squeeze %dma_start3A_831 : memref<1x64x128xf32, #tpu.memory_space<vmem>> -> memref<64x128xf32, #tpu.memory_space<vmem>>
        %dma_start3A_833 = arith.constant 0 : i32
        %dma_start3A_834 = tpu.memref_slice %arg3[%dma_start3A_833, %multiple_of3A_821] : memref<64x1000000xf32, #tpu.memory_space<hbm>> -> memref<64x128xf32, #tpu.memory_space<hbm>>
        tpu.enqueue_dma source(%dma_start3A_834 : memref<64x128xf32, #tpu.memory_space<hbm>>) target(%dma_start3A_832 : memref<64x128xf32, #tpu.memory_space<vmem>>) target_semaphore(%arg8 : memref<!tpu.dma_semaphore, #tpu.memory_space<semaphore_mem>>)
      } else {
      }
      %mul3A_245 = arith.constant 8 : i32
      %mul3A_246 = arith.muli %scan3A_171, %mul3A_245 : i32
      %add3A_247 = arith.constant 1 : i32
      %add3A_248 = arith.addi %mul3A_246, %add3A_247 : i32
      %eq3A_249 = arith.constant 256 : i32
      %eq3A_250 = arith.cmpi eq, %add3A_248, %eq3A_249 : i32
      %convert_element_type3A_251 = arith.extui %eq3A_250 : i1 to i32
      %cond3A_252 = arith.constant 0 : i32
      %cond3A_253 = arith.cmpi ne, %convert_element_type3A_251, %cond3A_252 : i32
      scf.if %cond3A_253 {
        "tpu.region"() ({
          %run_scoped3A = tpu.sem_alloc : memref<!tpu.dma_semaphore, #tpu.memory_space<semaphore_mem>>
          %dma_start3A_812 = arith.constant 0 : i32
          %dma_start3A_813 = tpu.memref_slice %arg4[%dma_start3A_812, %mul3A_2] : memref<64x16384xf32, #tpu.memory_space<hbm>> -> memref<64x256xf32, #tpu.memory_space<hbm>>
          %dma_start3A_814 = arith.constant 0 : i32
          %dma_start3A_815 = tpu.memref_slice %arg4[%dma_start3A_814, %mul3A_2] : memref<64x16384xf32, #tpu.memory_space<hbm>> -> memref<64x256xf32, #tpu.memory_space<hbm>>
          tpu.enqueue_dma source(%arg7 : memref<64x256xf32, #tpu.memory_space<vmem>>) target(%dma_start3A_815 : memref<64x256xf32, #tpu.memory_space<hbm>>) target_semaphore(%run_scoped3A : memref<!tpu.dma_semaphore, #tpu.memory_space<semaphore_mem>>)
          %dma_wait3A_816 = arith.constant 0 : i32
          %dma_wait3A_817 = tpu.memref_slice %arg4[%dma_wait3A_816, %mul3A_2] : memref<64x16384xf32, #tpu.memory_space<hbm>> -> memref<64x256xf32, #tpu.memory_space<hbm>>
          %dma_wait3A_818 = arith.constant 0 : i32
          %dma_wait3A_819 = tpu.memref_slice %arg4[%dma_wait3A_818, %mul3A_2] : memref<64x16384xf32, #tpu.memory_space<hbm>> -> memref<64x256xf32, #tpu.memory_space<hbm>>
          tpu.wait_dma2 semaphore(%run_scoped3A : memref<!tpu.dma_semaphore, #tpu.memory_space<semaphore_mem>>) src(%arg7 : memref<64x256xf32, #tpu.memory_space<vmem>>) dst(%dma_wait3A_819 : memref<64x256xf32, #tpu.memory_space<hbm>>)
          tpu.yield
        }) : () -> ()
      } else {
      }
      %dma_wait3A_254 = arith.constant 1 : i32
      %dma_wait3A_255 = arith.constant 0 : i32
      %dma_wait3A_256 = arith.constant 0 : i32
      %dma_wait3A_257 = tpu.memref_slice %arg6[%dma_wait3A_254, %dma_wait3A_255, %dma_wait3A_256] : memref<8x64x128xf32, #tpu.memory_space<vmem>> -> memref<1x64x128xf32, #tpu.memory_space<vmem>>
      %dma_wait3A_258 = tpu.memref_squeeze %dma_wait3A_257 : memref<1x64x128xf32, #tpu.memory_space<vmem>> -> memref<64x128xf32, #tpu.memory_space<vmem>>
      %dma_wait3A_259 = arith.constant 0 : i32
      %dma_wait3A_260 = arith.constant 0 : i32
      %dma_wait3A_261 = tpu.memref_slice %arg3[%dma_wait3A_259, %dma_wait3A_260] : memref<64x1000000xf32, #tpu.memory_space<hbm>> -> memref<64x128xf32, #tpu.memory_space<hbm>>
      %dma_wait3A_262 = arith.constant 0 : i32
      %dma_wait3A_263 = arith.constant 0 : i32
      %dma_wait3A_264 = tpu.memref_slice %arg6[%dma_wait3A_254, %dma_wait3A_262, %dma_wait3A_263] : memref<8x64x128xf32, #tpu.memory_space<vmem>> -> memref<1x64x128xf32, #tpu.memory_space<vmem>>
      %dma_wait3A_265 = tpu.memref_squeeze %dma_wait3A_264 : memref<1x64x128xf32, #tpu.memory_space<vmem>> -> memref<64x128xf32, #tpu.memory_space<vmem>>
      %dma_wait3A_266 = arith.constant 0 : i32
      %dma_wait3A_267 = arith.constant 0 : i32
      %dma_wait3A_268 = tpu.memref_slice %arg3[%dma_wait3A_266, %dma_wait3A_267] : memref<64x1000000xf32, #tpu.memory_space<hbm>> -> memref<64x128xf32, #tpu.memory_space<hbm>>
      tpu.wait_dma2 semaphore(%arg9 : memref<!tpu.dma_semaphore, #tpu.memory_space<semaphore_mem>>) src(%dma_wait3A_268 : memref<64x128xf32, #tpu.memory_space<hbm>>) dst(%dma_wait3A_265 : memref<64x128xf32, #tpu.memory_space<vmem>>)
      %get3A_269 = arith.index_cast %add3A_248 : i32 to index
      %get3A_270 = tpu.vector_load %arg5[%get3A_269] {strides = array<i32>} : memref<528xi32, #tpu.memory_space<vmem>>, vector<16xi32>,
      %slice3A_271 = vector.extract_strided_slice %get3A_270 {offsets = [0], sizes = [1], strides = [1]} : vector<16xi32> to vector<1xi32>
      %squeeze3A_272 = vector.extract %slice3A_271[0] : i32 from vector<1xi32>
      %rem3A_273 = arith.constant 128 : i32
      %rem3A_274 = arith.remsi %squeeze3A_272, %rem3A_273 : i32
      %broadcast_in_dim3A_275 = vector.broadcast %rem3A_274 : i32 to vector<16xi32>
      %rem3A_276 = arith.constant 256 : i32
      %rem3A_277 = arith.remsi %add3A_248, %rem3A_276 : i32
      %broadcast_in_dim3A_278 = vector.broadcast %rem3A_277 : i32 to vector<16xi32>
      %iota3A_279 = tpu.iota {dimensions = array<i32: 0>} : vector<16xi32>
      %add3A_280 = arith.constant 0 : i32
      %add3A_281 = vector.broadcast %add3A_280 : i32 to vector<16xi32>
      %add3A_282 = arith.addi %iota3A_279, %add3A_281 : vector<16xi32>
      %gather3A_283 = arith.constant 1 : i32
      %gather3A_284 = arith.constant 0 : i32
      %gather3A_285 = arith.constant 0 : i32
      %gather3A_286 = tpu.memref_slice %arg6[%gather3A_283, %gather3A_284, %gather3A_285] : memref<8x64x128xf32, #tpu.memory_space<vmem>> -> memref<1x64x128xf32, #tpu.memory_space<vmem>>
      %gather3A_287 = tpu.memref_squeeze %gather3A_286 : memref<1x64x128xf32, #tpu.memory_space<vmem>> -> memref<64x128xf32, #tpu.memory_space<vmem>>
      %gather3A_288 = tpu.vector_load_idx %gather3A_287[%add3A_282, %broadcast_in_dim3A_275] : memref<64x128xf32, #tpu.memory_space<vmem>>[vector<16xi32>, vector<16xi32>], vector<16xf32>,
      tpu.vector_store_idx %arg7[%add3A_282, %broadcast_in_dim3A_278], %gather3A_288 : memref<64x256xf32, #tpu.memory_space<vmem>>[vector<16xi32>, vector<16xi32>], vector<16xf32>,
      %iota3A_289 = tpu.iota {dimensions = array<i32: 0>} : vector<16xi32>
      %add3A_290 = arith.constant 16 : i32
      %add3A_291 = vector.broadcast %add3A_290 : i32 to vector<16xi32>
      %add3A_292 = arith.addi %iota3A_289, %add3A_291 : vector<16xi32>
      %gather3A_293 = arith.constant 1 : i32
      %gather3A_294 = arith.constant 0 : i32
      %gather3A_295 = arith.constant 0 : i32
      %gather3A_296 = tpu.memref_slice %arg6[%gather3A_293, %gather3A_294, %gather3A_295] : memref<8x64x128xf32, #tpu.memory_space<vmem>> -> memref<1x64x128xf32, #tpu.memory_space<vmem>>
      %gather3A_297 = tpu.memref_squeeze %gather3A_296 : memref<1x64x128xf32, #tpu.memory_space<vmem>> -> memref<64x128xf32, #tpu.memory_space<vmem>>
      %gather3A_298 = tpu.vector_load_idx %gather3A_297[%add3A_292, %broadcast_in_dim3A_275] : memref<64x128xf32, #tpu.memory_space<vmem>>[vector<16xi32>, vector<16xi32>], vector<16xf32>,
      tpu.vector_store_idx %arg7[%add3A_292, %broadcast_in_dim3A_278], %gather3A_298 : memref<64x256xf32, #tpu.memory_space<vmem>>[vector<16xi32>, vector<16xi32>], vector<16xf32>,
      %iota3A_299 = tpu.iota {dimensions = array<i32: 0>} : vector<16xi32>
      %add3A_300 = arith.constant 32 : i32
      %add3A_301 = vector.broadcast %add3A_300 : i32 to vector<16xi32>
      %add3A_302 = arith.addi %iota3A_299, %add3A_301 : vector<16xi32>
      %gather3A_303 = arith.constant 1 : i32
      %gather3A_304 = arith.constant 0 : i32
      %gather3A_305 = arith.constant 0 : i32
      %gather3A_306 = tpu.memref_slice %arg6[%gather3A_303, %gather3A_304, %gather3A_305] : memref<8x64x128xf32, #tpu.memory_space<vmem>> -> memref<1x64x128xf32, #tpu.memory_space<vmem>>
      %gather3A_307 = tpu.memref_squeeze %gather3A_306 : memref<1x64x128xf32, #tpu.memory_space<vmem>> -> memref<64x128xf32, #tpu.memory_space<vmem>>
      %gather3A_308 = tpu.vector_load_idx %gather3A_307[%add3A_302, %broadcast_in_dim3A_275] : memref<64x128xf32, #tpu.memory_space<vmem>>[vector<16xi32>, vector<16xi32>], vector<16xf32>,
      tpu.vector_store_idx %arg7[%add3A_302, %broadcast_in_dim3A_278], %gather3A_308 : memref<64x256xf32, #tpu.memory_space<vmem>>[vector<16xi32>, vector<16xi32>], vector<16xf32>,
      %iota3A_309 = tpu.iota {dimensions = array<i32: 0>} : vector<16xi32>
      %add3A_310 = arith.constant 48 : i32
      %add3A_311 = vector.broadcast %add3A_310 : i32 to vector<16xi32>
      %add3A_312 = arith.addi %iota3A_309, %add3A_311 : vector<16xi32>
      %gather3A_313 = arith.constant 1 : i32
      %gather3A_314 = arith.constant 0 : i32
      %gather3A_315 = arith.constant 0 : i32
      %gather3A_316 = tpu.memref_slice %arg6[%gather3A_313, %gather3A_314, %gather3A_315] : memref<8x64x128xf32, #tpu.memory_space<vmem>> -> memref<1x64x128xf32, #tpu.memory_space<vmem>>
      %gather3A_317 = tpu.memref_squeeze %gather3A_316 : memref<1x64x128xf32, #tpu.memory_space<vmem>> -> memref<64x128xf32, #tpu.memory_space<vmem>>
      %gather3A_318 = tpu.vector_load_idx %gather3A_317[%add3A_312, %broadcast_in_dim3A_275] : memref<64x128xf32, #tpu.memory_space<vmem>>[vector<16xi32>, vector<16xi32>], vector<16xf32>,
      tpu.vector_store_idx %arg7[%add3A_312, %broadcast_in_dim3A_278], %gather3A_318 : memref<64x256xf32, #tpu.memory_space<vmem>>[vector<16xi32>, vector<16xi32>], vector<16xf32>,
      %add3A_319 = arith.constant 8 : i32
      %add3A_320 = arith.addi %add3A_248, %add3A_319 : i32
      %lt3A_321 = arith.constant 512 : i32
      %lt3A_322 = arith.cmpi slt, %add3A_320, %lt3A_321 : i32
      %convert_element_type3A_323 = arith.extui %lt3A_322 : i1 to i32
      %cond3A_324 = arith.constant 0 : i32
      %cond3A_325 = arith.cmpi ne, %convert_element_type3A_323, %cond3A_324 : i32
      scf.if %cond3A_325 {
        %add3A_812 = arith.constant 8 : i32
        %add3A_813 = arith.addi %add3A_248, %add3A_812 : i32
        %get3A_814 = arith.index_cast %add3A_813 : i32 to index
        %get3A_815 = tpu.vector_load %arg5[%get3A_814] {strides = array<i32>} : memref<528xi32, #tpu.memory_space<vmem>>, vector<16xi32>,
        %slice3A_816 = vector.extract_strided_slice %get3A_815 {offsets = [0], sizes = [1], strides = [1]} : vector<16xi32> to vector<1xi32>
        %squeeze3A_817 = vector.extract %slice3A_816[0] : i32 from vector<1xi32>
        %rem3A_818 = arith.constant 128 : i32
        %rem3A_819 = arith.remsi %squeeze3A_817, %rem3A_818 : i32
        %sub3A_820 = arith.subi %squeeze3A_817, %rem3A_819 : i32
        %multiple_of3A_821 = tpu.assume_multiple %sub3A_820, 128 : i32
        %dma_start3A_822 = arith.constant 1 : i32
        %dma_start3A_823 = arith.constant 0 : i32
        %dma_start3A_824 = arith.constant 0 : i32
        %dma_start3A_825 = tpu.memref_slice %arg6[%dma_start3A_822, %dma_start3A_823, %dma_start3A_824] : memref<8x64x128xf32, #tpu.memory_space<vmem>> -> memref<1x64x128xf32, #tpu.memory_space<vmem>>
        %dma_start3A_826 = tpu.memref_squeeze %dma_start3A_825 : memref<1x64x128xf32, #tpu.memory_space<vmem>> -> memref<64x128xf32, #tpu.memory_space<vmem>>
        %dma_start3A_827 = arith.constant 0 : i32
        %dma_start3A_828 = tpu.memref_slice %arg3[%dma_start3A_827, %multiple_of3A_821] : memref<64x1000000xf32, #tpu.memory_space<hbm>> -> memref<64x128xf32, #tpu.memory_space<hbm>>
        %dma_start3A_829 = arith.constant 0 : i32
        %dma_start3A_830 = arith.constant 0 : i32
        %dma_start3A_831 = tpu.memref_slice %arg6[%dma_start3A_822, %dma_start3A_829, %dma_start3A_830] : memref<8x64x128xf32, #tpu.memory_space<vmem>> -> memref<1x64x128xf32, #tpu.memory_space<vmem>>
        %dma_start3A_832 = tpu.memref_squeeze %dma_start3A_831 : memref<1x64x128xf32, #tpu.memory_space<vmem>> -> memref<64x128xf32, #tpu.memory_space<vmem>>
        %dma_start3A_833 = arith.constant 0 : i32
        %dma_start3A_834 = tpu.memref_slice %arg3[%dma_start3A_833, %multiple_of3A_821] : memref<64x1000000xf32, #tpu.memory_space<hbm>> -> memref<64x128xf32, #tpu.memory_space<hbm>>
        tpu.enqueue_dma source(%dma_start3A_834 : memref<64x128xf32, #tpu.memory_space<hbm>>) target(%dma_start3A_832 : memref<64x128xf32, #tpu.memory_space<vmem>>) target_semaphore(%arg9 : memref<!tpu.dma_semaphore, #tpu.memory_space<semaphore_mem>>)
      } else {
      }
      %mul3A_326 = arith.constant 8 : i32
      %mul3A_327 = arith.muli %scan3A_171, %mul3A_326 : i32
      %add3A_328 = arith.constant 2 : i32
      %add3A_329 = arith.addi %mul3A_327, %add3A_328 : i32
      %eq3A_330 = arith.constant 256 : i32
      %eq3A_331 = arith.cmpi eq, %add3A_329, %eq3A_330 : i32
      %convert_element_type3A_332 = arith.extui %eq3A_331 : i1 to i32
      %cond3A_333 = arith.constant 0 : i32
      %cond3A_334 = arith.cmpi ne, %convert_element_type3A_332, %cond3A_333 : i32
      scf.if %cond3A_334 {
        "tpu.region"() ({
          %run_scoped3A = tpu.sem_alloc : memref<!tpu.dma_semaphore, #tpu.memory_space<semaphore_mem>>
          %dma_start3A_812 = arith.constant 0 : i32
          %dma_start3A_813 = tpu.memref_slice %arg4[%dma_start3A_812, %mul3A_2] : memref<64x16384xf32, #tpu.memory_space<hbm>> -> memref<64x256xf32, #tpu.memory_space<hbm>>
          %dma_start3A_814 = arith.constant 0 : i32
          %dma_start3A_815 = tpu.memref_slice %arg4[%dma_start3A_814, %mul3A_2] : memref<64x16384xf32, #tpu.memory_space<hbm>> -> memref<64x256xf32, #tpu.memory_space<hbm>>
          tpu.enqueue_dma source(%arg7 : memref<64x256xf32, #tpu.memory_space<vmem>>) target(%dma_start3A_815 : memref<64x256xf32, #tpu.memory_space<hbm>>) target_semaphore(%run_scoped3A : memref<!tpu.dma_semaphore, #tpu.memory_space<semaphore_mem>>)
          %dma_wait3A_816 = arith.constant 0 : i32
          %dma_wait3A_817 = tpu.memref_slice %arg4[%dma_wait3A_816, %mul3A_2] : memref<64x16384xf32, #tpu.memory_space<hbm>> -> memref<64x256xf32, #tpu.memory_space<hbm>>
          %dma_wait3A_818 = arith.constant 0 : i32
          %dma_wait3A_819 = tpu.memref_slice %arg4[%dma_wait3A_818, %mul3A_2] : memref<64x16384xf32, #tpu.memory_space<hbm>> -> memref<64x256xf32, #tpu.memory_space<hbm>>
          tpu.wait_dma2 semaphore(%run_scoped3A : memref<!tpu.dma_semaphore, #tpu.memory_space<semaphore_mem>>) src(%arg7 : memref<64x256xf32, #tpu.memory_space<vmem>>) dst(%dma_wait3A_819 : memref<64x256xf32, #tpu.memory_space<hbm>>)
          tpu.yield
        }) : () -> ()
      } else {
      }
      %dma_wait3A_335 = arith.constant 2 : i32
      %dma_wait3A_336 = arith.constant 0 : i32
      %dma_wait3A_337 = arith.constant 0 : i32
      %dma_wait3A_338 = tpu.memref_slice %arg6[%dma_wait3A_335, %dma_wait3A_336, %dma_wait3A_337] : memref<8x64x128xf32, #tpu.memory_space<vmem>> -> memref<1x64x128xf32, #tpu.memory_space<vmem>>
      %dma_wait3A_339 = tpu.memref_squeeze %dma_wait3A_338 : memref<1x64x128xf32, #tpu.memory_space<vmem>> -> memref<64x128xf32, #tpu.memory_space<vmem>>
      %dma_wait3A_340 = arith.constant 0 : i32
      %dma_wait3A_341 = arith.constant 0 : i32
      %dma_wait3A_342 = tpu.memref_slice %arg3[%dma_wait3A_340, %dma_wait3A_341] : memref<64x1000000xf32, #tpu.memory_space<hbm>> -> memref<64x128xf32, #tpu.memory_space<hbm>>
      %dma_wait3A_343 = arith.constant 0 : i32
      %dma_wait3A_344 = arith.constant 0 : i32
      %dma_wait3A_345 = tpu.memref_slice %arg6[%dma_wait3A_335, %dma_wait3A_343, %dma_wait3A_344] : memref<8x64x128xf32, #tpu.memory_space<vmem>> -> memref<1x64x128xf32, #tpu.memory_space<vmem>>
      %dma_wait3A_346 = tpu.memref_squeeze %dma_wait3A_345 : memref<1x64x128xf32, #tpu.memory_space<vmem>> -> memref<64x128xf32, #tpu.memory_space<vmem>>
      %dma_wait3A_347 = arith.constant 0 : i32
      %dma_wait3A_348 = arith.constant 0 : i32
      %dma_wait3A_349 = tpu.memref_slice %arg3[%dma_wait3A_347, %dma_wait3A_348] : memref<64x1000000xf32, #tpu.memory_space<hbm>> -> memref<64x128xf32, #tpu.memory_space<hbm>>
      tpu.wait_dma2 semaphore(%arg10 : memref<!tpu.dma_semaphore, #tpu.memory_space<semaphore_mem>>) src(%dma_wait3A_349 : memref<64x128xf32, #tpu.memory_space<hbm>>) dst(%dma_wait3A_346 : memref<64x128xf32, #tpu.memory_space<vmem>>)
      %get3A_350 = arith.index_cast %add3A_329 : i32 to index
      %get3A_351 = tpu.vector_load %arg5[%get3A_350] {strides = array<i32>} : memref<528xi32, #tpu.memory_space<vmem>>, vector<16xi32>,
      %slice3A_352 = vector.extract_strided_slice %get3A_351 {offsets = [0], sizes = [1], strides = [1]} : vector<16xi32> to vector<1xi32>
      %squeeze3A_353 = vector.extract %slice3A_352[0] : i32 from vector<1xi32>
      %rem3A_354 = arith.constant 128 : i32
      %rem3A_355 = arith.remsi %squeeze3A_353, %rem3A_354 : i32
      %broadcast_in_dim3A_356 = vector.broadcast %rem3A_355 : i32 to vector<16xi32>
      %rem3A_357 = arith.constant 256 : i32
      %rem3A_358 = arith.remsi %add3A_329, %rem3A_357 : i32
      %broadcast_in_dim3A_359 = vector.broadcast %rem3A_358 : i32 to vector<16xi32>
      %iota3A_360 = tpu.iota {dimensions = array<i32: 0>} : vector<16xi32>
      %add3A_361 = arith.constant 0 : i32
      %add3A_362 = vector.broadcast %add3A_361 : i32 to vector<16xi32>
      %add3A_363 = arith.addi %iota3A_360, %add3A_362 : vector<16xi32>
      %gather3A_364 = arith.constant 2 : i32
      %gather3A_365 = arith.constant 0 : i32
      %gather3A_366 = arith.constant 0 : i32
      %gather3A_367 = tpu.memref_slice %arg6[%gather3A_364, %gather3A_365, %gather3A_366] : memref<8x64x128xf32, #tpu.memory_space<vmem>> -> memref<1x64x128xf32, #tpu.memory_space<vmem>>
      %gather3A_368 = tpu.memref_squeeze %gather3A_367 : memref<1x64x128xf32, #tpu.memory_space<vmem>> -> memref<64x128xf32, #tpu.memory_space<vmem>>
      %gather3A_369 = tpu.vector_load_idx %gather3A_368[%add3A_363, %broadcast_in_dim3A_356] : memref<64x128xf32, #tpu.memory_space<vmem>>[vector<16xi32>, vector<16xi32>], vector<16xf32>,
      tpu.vector_store_idx %arg7[%add3A_363, %broadcast_in_dim3A_359], %gather3A_369 : memref<64x256xf32, #tpu.memory_space<vmem>>[vector<16xi32>, vector<16xi32>], vector<16xf32>,
      %iota3A_370 = tpu.iota {dimensions = array<i32: 0>} : vector<16xi32>
      %add3A_371 = arith.constant 16 : i32
      %add3A_372 = vector.broadcast %add3A_371 : i32 to vector<16xi32>
      %add3A_373 = arith.addi %iota3A_370, %add3A_372 : vector<16xi32>
      %gather3A_374 = arith.constant 2 : i32
      %gather3A_375 = arith.constant 0 : i32
      %gather3A_376 = arith.constant 0 : i32
      %gather3A_377 = tpu.memref_slice %arg6[%gather3A_374, %gather3A_375, %gather3A_376] : memref<8x64x128xf32, #tpu.memory_space<vmem>> -> memref<1x64x128xf32, #tpu.memory_space<vmem>>
      %gather3A_378 = tpu.memref_squeeze %gather3A_377 : memref<1x64x128xf32, #tpu.memory_space<vmem>> -> memref<64x128xf32, #tpu.memory_space<vmem>>
      %gather3A_379 = tpu.vector_load_idx %gather3A_378[%add3A_373, %broadcast_in_dim3A_356] : memref<64x128xf32, #tpu.memory_space<vmem>>[vector<16xi32>, vector<16xi32>], vector<16xf32>,
      tpu.vector_store_idx %arg7[%add3A_373, %broadcast_in_dim3A_359], %gather3A_379 : memref<64x256xf32, #tpu.memory_space<vmem>>[vector<16xi32>, vector<16xi32>], vector<16xf32>,
      %iota3A_380 = tpu.iota {dimensions = array<i32: 0>} : vector<16xi32>
      %add3A_381 = arith.constant 32 : i32
      %add3A_382 = vector.broadcast %add3A_381 : i32 to vector<16xi32>
      %add3A_383 = arith.addi %iota3A_380, %add3A_382 : vector<16xi32>
      %gather3A_384 = arith.constant 2 : i32
      %gather3A_385 = arith.constant 0 : i32
      %gather3A_386 = arith.constant 0 : i32
      %gather3A_387 = tpu.memref_slice %arg6[%gather3A_384, %gather3A_385, %gather3A_386] : memref<8x64x128xf32, #tpu.memory_space<vmem>> -> memref<1x64x128xf32, #tpu.memory_space<vmem>>
      %gather3A_388 = tpu.memref_squeeze %gather3A_387 : memref<1x64x128xf32, #tpu.memory_space<vmem>> -> memref<64x128xf32, #tpu.memory_space<vmem>>
      %gather3A_389 = tpu.vector_load_idx %gather3A_388[%add3A_383, %broadcast_in_dim3A_356] : memref<64x128xf32, #tpu.memory_space<vmem>>[vector<16xi32>, vector<16xi32>], vector<16xf32>,
      tpu.vector_store_idx %arg7[%add3A_383, %broadcast_in_dim3A_359], %gather3A_389 : memref<64x256xf32, #tpu.memory_space<vmem>>[vector<16xi32>, vector<16xi32>], vector<16xf32>,
      %iota3A_390 = tpu.iota {dimensions = array<i32: 0>} : vector<16xi32>
      %add3A_391 = arith.constant 48 : i32
      %add3A_392 = vector.broadcast %add3A_391 : i32 to vector<16xi32>
      %add3A_393 = arith.addi %iota3A_390, %add3A_392 : vector<16xi32>
      %gather3A_394 = arith.constant 2 : i32
      %gather3A_395 = arith.constant 0 : i32
      %gather3A_396 = arith.constant 0 : i32
      %gather3A_397 = tpu.memref_slice %arg6[%gather3A_394, %gather3A_395, %gather3A_396] : memref<8x64x128xf32, #tpu.memory_space<vmem>> -> memref<1x64x128xf32, #tpu.memory_space<vmem>>
      %gather3A_398 = tpu.memref_squeeze %gather3A_397 : memref<1x64x128xf32, #tpu.memory_space<vmem>> -> memref<64x128xf32, #tpu.memory_space<vmem>>
      %gather3A_399 = tpu.vector_load_idx %gather3A_398[%add3A_393, %broadcast_in_dim3A_356] : memref<64x128xf32, #tpu.memory_space<vmem>>[vector<16xi32>, vector<16xi32>], vector<16xf32>,
      tpu.vector_store_idx %arg7[%add3A_393, %broadcast_in_dim3A_359], %gather3A_399 : memref<64x256xf32, #tpu.memory_space<vmem>>[vector<16xi32>, vector<16xi32>], vector<16xf32>,
      %add3A_400 = arith.constant 8 : i32
      %add3A_401 = arith.addi %add3A_329, %add3A_400 : i32
      %lt3A_402 = arith.constant 512 : i32
      %lt3A_403 = arith.cmpi slt, %add3A_401, %lt3A_402 : i32
      %convert_element_type3A_404 = arith.extui %lt3A_403 : i1 to i32
      %cond3A_405 = arith.constant 0 : i32
      %cond3A_406 = arith.cmpi ne, %convert_element_type3A_404, %cond3A_405 : i32
      scf.if %cond3A_406 {
        %add3A_812 = arith.constant 8 : i32
        %add3A_813 = arith.addi %add3A_329, %add3A_812 : i32
        %get3A_814 = arith.index_cast %add3A_813 : i32 to index
        %get3A_815 = tpu.vector_load %arg5[%get3A_814] {strides = array<i32>} : memref<528xi32, #tpu.memory_space<vmem>>, vector<16xi32>,
        %slice3A_816 = vector.extract_strided_slice %get3A_815 {offsets = [0], sizes = [1], strides = [1]} : vector<16xi32> to vector<1xi32>
        %squeeze3A_817 = vector.extract %slice3A_816[0] : i32 from vector<1xi32>
        %rem3A_818 = arith.constant 128 : i32
        %rem3A_819 = arith.remsi %squeeze3A_817, %rem3A_818 : i32
        %sub3A_820 = arith.subi %squeeze3A_817, %rem3A_819 : i32
        %multiple_of3A_821 = tpu.assume_multiple %sub3A_820, 128 : i32
        %dma_start3A_822 = arith.constant 2 : i32
        %dma_start3A_823 = arith.constant 0 : i32
        %dma_start3A_824 = arith.constant 0 : i32
        %dma_start3A_825 = tpu.memref_slice %arg6[%dma_start3A_822, %dma_start3A_823, %dma_start3A_824] : memref<8x64x128xf32, #tpu.memory_space<vmem>> -> memref<1x64x128xf32, #tpu.memory_space<vmem>>
        %dma_start3A_826 = tpu.memref_squeeze %dma_start3A_825 : memref<1x64x128xf32, #tpu.memory_space<vmem>> -> memref<64x128xf32, #tpu.memory_space<vmem>>
        %dma_start3A_827 = arith.constant 0 : i32
        %dma_start3A_828 = tpu.memref_slice %arg3[%dma_start3A_827, %multiple_of3A_821] : memref<64x1000000xf32, #tpu.memory_space<hbm>> -> memref<64x128xf32, #tpu.memory_space<hbm>>
        %dma_start3A_829 = arith.constant 0 : i32
        %dma_start3A_830 = arith.constant 0 : i32
        %dma_start3A_831 = tpu.memref_slice %arg6[%dma_start3A_822, %dma_start3A_829, %dma_start3A_830] : memref<8x64x128xf32, #tpu.memory_space<vmem>> -> memref<1x64x128xf32, #tpu.memory_space<vmem>>
        %dma_start3A_832 = tpu.memref_squeeze %dma_start3A_831 : memref<1x64x128xf32, #tpu.memory_space<vmem>> -> memref<64x128xf32, #tpu.memory_space<vmem>>
        %dma_start3A_833 = arith.constant 0 : i32
        %dma_start3A_834 = tpu.memref_slice %arg3[%dma_start3A_833, %multiple_of3A_821] : memref<64x1000000xf32, #tpu.memory_space<hbm>> -> memref<64x128xf32, #tpu.memory_space<hbm>>
        tpu.enqueue_dma source(%dma_start3A_834 : memref<64x128xf32, #tpu.memory_space<hbm>>) target(%dma_start3A_832 : memref<64x128xf32, #tpu.memory_space<vmem>>) target_semaphore(%arg10 : memref<!tpu.dma_semaphore, #tpu.memory_space<semaphore_mem>>)
      } else {
      }
      %mul3A_407 = arith.constant 8 : i32
      %mul3A_408 = arith.muli %scan3A_171, %mul3A_407 : i32
      %add3A_409 = arith.constant 3 : i32
      %add3A_410 = arith.addi %mul3A_408, %add3A_409 : i32
      %eq3A_411 = arith.constant 256 : i32
      %eq3A_412 = arith.cmpi eq, %add3A_410, %eq3A_411 : i32
      %convert_element_type3A_413 = arith.extui %eq3A_412 : i1 to i32
      %cond3A_414 = arith.constant 0 : i32
      %cond3A_415 = arith.cmpi ne, %convert_element_type3A_413, %cond3A_414 : i32
      scf.if %cond3A_415 {
        "tpu.region"() ({
          %run_scoped3A = tpu.sem_alloc : memref<!tpu.dma_semaphore, #tpu.memory_space<semaphore_mem>>
          %dma_start3A_812 = arith.constant 0 : i32
          %dma_start3A_813 = tpu.memref_slice %arg4[%dma_start3A_812, %mul3A_2] : memref<64x16384xf32, #tpu.memory_space<hbm>> -> memref<64x256xf32, #tpu.memory_space<hbm>>
          %dma_start3A_814 = arith.constant 0 : i32
          %dma_start3A_815 = tpu.memref_slice %arg4[%dma_start3A_814, %mul3A_2] : memref<64x16384xf32, #tpu.memory_space<hbm>> -> memref<64x256xf32, #tpu.memory_space<hbm>>
          tpu.enqueue_dma source(%arg7 : memref<64x256xf32, #tpu.memory_space<vmem>>) target(%dma_start3A_815 : memref<64x256xf32, #tpu.memory_space<hbm>>) target_semaphore(%run_scoped3A : memref<!tpu.dma_semaphore, #tpu.memory_space<semaphore_mem>>)
          %dma_wait3A_816 = arith.constant 0 : i32
          %dma_wait3A_817 = tpu.memref_slice %arg4[%dma_wait3A_816, %mul3A_2] : memref<64x16384xf32, #tpu.memory_space<hbm>> -> memref<64x256xf32, #tpu.memory_space<hbm>>
          %dma_wait3A_818 = arith.constant 0 : i32
          %dma_wait3A_819 = tpu.memref_slice %arg4[%dma_wait3A_818, %mul3A_2] : memref<64x16384xf32, #tpu.memory_space<hbm>> -> memref<64x256xf32, #tpu.memory_space<hbm>>
          tpu.wait_dma2 semaphore(%run_scoped3A : memref<!tpu.dma_semaphore, #tpu.memory_space<semaphore_mem>>) src(%arg7 : memref<64x256xf32, #tpu.memory_space<vmem>>) dst(%dma_wait3A_819 : memref<64x256xf32, #tpu.memory_space<hbm>>)
          tpu.yield
        }) : () -> ()
      } else {
      }
      %dma_wait3A_416 = arith.constant 3 : i32
      %dma_wait3A_417 = arith.constant 0 : i32
      %dma_wait3A_418 = arith.constant 0 : i32
      %dma_wait3A_419 = tpu.memref_slice %arg6[%dma_wait3A_416, %dma_wait3A_417, %dma_wait3A_418] : memref<8x64x128xf32, #tpu.memory_space<vmem>> -> memref<1x64x128xf32, #tpu.memory_space<vmem>>
      %dma_wait3A_420 = tpu.memref_squeeze %dma_wait3A_419 : memref<1x64x128xf32, #tpu.memory_space<vmem>> -> memref<64x128xf32, #tpu.memory_space<vmem>>
      %dma_wait3A_421 = arith.constant 0 : i32
      %dma_wait3A_422 = arith.constant 0 : i32
      %dma_wait3A_423 = tpu.memref_slice %arg3[%dma_wait3A_421, %dma_wait3A_422] : memref<64x1000000xf32, #tpu.memory_space<hbm>> -> memref<64x128xf32, #tpu.memory_space<hbm>>
      %dma_wait3A_424 = arith.constant 0 : i32
      %dma_wait3A_425 = arith.constant 0 : i32
      %dma_wait3A_426 = tpu.memref_slice %arg6[%dma_wait3A_416, %dma_wait3A_424, %dma_wait3A_425] : memref<8x64x128xf32, #tpu.memory_space<vmem>> -> memref<1x64x128xf32, #tpu.memory_space<vmem>>
      %dma_wait3A_427 = tpu.memref_squeeze %dma_wait3A_426 : memref<1x64x128xf32, #tpu.memory_space<vmem>> -> memref<64x128xf32, #tpu.memory_space<vmem>>
      %dma_wait3A_428 = arith.constant 0 : i32
      %dma_wait3A_429 = arith.constant 0 : i32
      %dma_wait3A_430 = tpu.memref_slice %arg3[%dma_wait3A_428, %dma_wait3A_429] : memref<64x1000000xf32, #tpu.memory_space<hbm>> -> memref<64x128xf32, #tpu.memory_space<hbm>>
      tpu.wait_dma2 semaphore(%arg11 : memref<!tpu.dma_semaphore, #tpu.memory_space<semaphore_mem>>) src(%dma_wait3A_430 : memref<64x128xf32, #tpu.memory_space<hbm>>) dst(%dma_wait3A_427 : memref<64x128xf32, #tpu.memory_space<vmem>>)
      %get3A_431 = arith.index_cast %add3A_410 : i32 to index
      %get3A_432 = tpu.vector_load %arg5[%get3A_431] {strides = array<i32>} : memref<528xi32, #tpu.memory_space<vmem>>, vector<16xi32>,
      %slice3A_433 = vector.extract_strided_slice %get3A_432 {offsets = [0], sizes = [1], strides = [1]} : vector<16xi32> to vector<1xi32>
      %squeeze3A_434 = vector.extract %slice3A_433[0] : i32 from vector<1xi32>
      %rem3A_435 = arith.constant 128 : i32
      %rem3A_436 = arith.remsi %squeeze3A_434, %rem3A_435 : i32
      %broadcast_in_dim3A_437 = vector.broadcast %rem3A_436 : i32 to vector<16xi32>
      %rem3A_438 = arith.constant 256 : i32
      %rem3A_439 = arith.remsi %add3A_410, %rem3A_438 : i32
      %broadcast_in_dim3A_440 = vector.broadcast %rem3A_439 : i32 to vector<16xi32>
      %iota3A_441 = tpu.iota {dimensions = array<i32: 0>} : vector<16xi32>
      %add3A_442 = arith.constant 0 : i32
      %add3A_443 = vector.broadcast %add3A_442 : i32 to vector<16xi32>
      %add3A_444 = arith.addi %iota3A_441, %add3A_443 : vector<16xi32>
      %gather3A_445 = arith.constant 3 : i32
      %gather3A_446 = arith.constant 0 : i32
      %gather3A_447 = arith.constant 0 : i32
      %gather3A_448 = tpu.memref_slice %arg6[%gather3A_445, %gather3A_446, %gather3A_447] : memref<8x64x128xf32, #tpu.memory_space<vmem>> -> memref<1x64x128xf32, #tpu.memory_space<vmem>>
      %gather3A_449 = tpu.memref_squeeze %gather3A_448 : memref<1x64x128xf32, #tpu.memory_space<vmem>> -> memref<64x128xf32, #tpu.memory_space<vmem>>
      %gather3A_450 = tpu.vector_load_idx %gather3A_449[%add3A_444, %broadcast_in_dim3A_437] : memref<64x128xf32, #tpu.memory_space<vmem>>[vector<16xi32>, vector<16xi32>], vector<16xf32>,
      tpu.vector_store_idx %arg7[%add3A_444, %broadcast_in_dim3A_440], %gather3A_450 : memref<64x256xf32, #tpu.memory_space<vmem>>[vector<16xi32>, vector<16xi32>], vector<16xf32>,
      %iota3A_451 = tpu.iota {dimensions = array<i32: 0>} : vector<16xi32>
      %add3A_452 = arith.constant 16 : i32
      %add3A_453 = vector.broadcast %add3A_452 : i32 to vector<16xi32>
      %add3A_454 = arith.addi %iota3A_451, %add3A_453 : vector<16xi32>
      %gather3A_455 = arith.constant 3 : i32
      %gather3A_456 = arith.constant 0 : i32
      %gather3A_457 = arith.constant 0 : i32
      %gather3A_458 = tpu.memref_slice %arg6[%gather3A_455, %gather3A_456, %gather3A_457] : memref<8x64x128xf32, #tpu.memory_space<vmem>> -> memref<1x64x128xf32, #tpu.memory_space<vmem>>
      %gather3A_459 = tpu.memref_squeeze %gather3A_458 : memref<1x64x128xf32, #tpu.memory_space<vmem>> -> memref<64x128xf32, #tpu.memory_space<vmem>>
      %gather3A_460 = tpu.vector_load_idx %gather3A_459[%add3A_454, %broadcast_in_dim3A_437] : memref<64x128xf32, #tpu.memory_space<vmem>>[vector<16xi32>, vector<16xi32>], vector<16xf32>,
      tpu.vector_store_idx %arg7[%add3A_454, %broadcast_in_dim3A_440], %gather3A_460 : memref<64x256xf32, #tpu.memory_space<vmem>>[vector<16xi32>, vector<16xi32>], vector<16xf32>,
      %iota3A_461 = tpu.iota {dimensions = array<i32: 0>} : vector<16xi32>
      %add3A_462 = arith.constant 32 : i32
      %add3A_463 = vector.broadcast %add3A_462 : i32 to vector<16xi32>
      %add3A_464 = arith.addi %iota3A_461, %add3A_463 : vector<16xi32>
      %gather3A_465 = arith.constant 3 : i32
      %gather3A_466 = arith.constant 0 : i32
      %gather3A_467 = arith.constant 0 : i32
      %gather3A_468 = tpu.memref_slice %arg6[%gather3A_465, %gather3A_466, %gather3A_467] : memref<8x64x128xf32, #tpu.memory_space<vmem>> -> memref<1x64x128xf32, #tpu.memory_space<vmem>>
      %gather3A_469 = tpu.memref_squeeze %gather3A_468 : memref<1x64x128xf32, #tpu.memory_space<vmem>> -> memref<64x128xf32, #tpu.memory_space<vmem>>
      %gather3A_470 = tpu.vector_load_idx %gather3A_469[%add3A_464, %broadcast_in_dim3A_437] : memref<64x128xf32, #tpu.memory_space<vmem>>[vector<16xi32>, vector<16xi32>], vector<16xf32>,
      tpu.vector_store_idx %arg7[%add3A_464, %broadcast_in_dim3A_440], %gather3A_470 : memref<64x256xf32, #tpu.memory_space<vmem>>[vector<16xi32>, vector<16xi32>], vector<16xf32>,
      %iota3A_471 = tpu.iota {dimensions = array<i32: 0>} : vector<16xi32>
      %add3A_472 = arith.constant 48 : i32
      %add3A_473 = vector.broadcast %add3A_472 : i32 to vector<16xi32>
      %add3A_474 = arith.addi %iota3A_471, %add3A_473 : vector<16xi32>
      %gather3A_475 = arith.constant 3 : i32
      %gather3A_476 = arith.constant 0 : i32
      %gather3A_477 = arith.constant 0 : i32
      %gather3A_478 = tpu.memref_slice %arg6[%gather3A_475, %gather3A_476, %gather3A_477] : memref<8x64x128xf32, #tpu.memory_space<vmem>> -> memref<1x64x128xf32, #tpu.memory_space<vmem>>
      %gather3A_479 = tpu.memref_squeeze %gather3A_478 : memref<1x64x128xf32, #tpu.memory_space<vmem>> -> memref<64x128xf32, #tpu.memory_space<vmem>>
      %gather3A_480 = tpu.vector_load_idx %gather3A_479[%add3A_474, %broadcast_in_dim3A_437] : memref<64x128xf32, #tpu.memory_space<vmem>>[vector<16xi32>, vector<16xi32>], vector<16xf32>,
      tpu.vector_store_idx %arg7[%add3A_474, %broadcast_in_dim3A_440], %gather3A_480 : memref<64x256xf32, #tpu.memory_space<vmem>>[vector<16xi32>, vector<16xi32>], vector<16xf32>,
      %add3A_481 = arith.constant 8 : i32
      %add3A_482 = arith.addi %add3A_410, %add3A_481 : i32
      %lt3A_483 = arith.constant 512 : i32
      %lt3A_484 = arith.cmpi slt, %add3A_482, %lt3A_483 : i32
      %convert_element_type3A_485 = arith.extui %lt3A_484 : i1 to i32
      %cond3A_486 = arith.constant 0 : i32
      %cond3A_487 = arith.cmpi ne, %convert_element_type3A_485, %cond3A_486 : i32
      scf.if %cond3A_487 {
        %add3A_812 = arith.constant 8 : i32
        %add3A_813 = arith.addi %add3A_410, %add3A_812 : i32
        %get3A_814 = arith.index_cast %add3A_813 : i32 to index
        %get3A_815 = tpu.vector_load %arg5[%get3A_814] {strides = array<i32>} : memref<528xi32, #tpu.memory_space<vmem>>, vector<16xi32>,
        %slice3A_816 = vector.extract_strided_slice %get3A_815 {offsets = [0], sizes = [1], strides = [1]} : vector<16xi32> to vector<1xi32>
        %squeeze3A_817 = vector.extract %slice3A_816[0] : i32 from vector<1xi32>
        %rem3A_818 = arith.constant 128 : i32
        %rem3A_819 = arith.remsi %squeeze3A_817, %rem3A_818 : i32
        %sub3A_820 = arith.subi %squeeze3A_817, %rem3A_819 : i32
        %multiple_of3A_821 = tpu.assume_multiple %sub3A_820, 128 : i32
        %dma_start3A_822 = arith.constant 3 : i32
        %dma_start3A_823 = arith.constant 0 : i32
        %dma_start3A_824 = arith.constant 0 : i32
        %dma_start3A_825 = tpu.memref_slice %arg6[%dma_start3A_822, %dma_start3A_823, %dma_start3A_824] : memref<8x64x128xf32, #tpu.memory_space<vmem>> -> memref<1x64x128xf32, #tpu.memory_space<vmem>>
        %dma_start3A_826 = tpu.memref_squeeze %dma_start3A_825 : memref<1x64x128xf32, #tpu.memory_space<vmem>> -> memref<64x128xf32, #tpu.memory_space<vmem>>
        %dma_start3A_827 = arith.constant 0 : i32
        %dma_start3A_828 = tpu.memref_slice %arg3[%dma_start3A_827, %multiple_of3A_821] : memref<64x1000000xf32, #tpu.memory_space<hbm>> -> memref<64x128xf32, #tpu.memory_space<hbm>>
        %dma_start3A_829 = arith.constant 0 : i32
        %dma_start3A_830 = arith.constant 0 : i32
        %dma_start3A_831 = tpu.memref_slice %arg6[%dma_start3A_822, %dma_start3A_829, %dma_start3A_830] : memref<8x64x128xf32, #tpu.memory_space<vmem>> -> memref<1x64x128xf32, #tpu.memory_space<vmem>>
        %dma_start3A_832 = tpu.memref_squeeze %dma_start3A_831 : memref<1x64x128xf32, #tpu.memory_space<vmem>> -> memref<64x128xf32, #tpu.memory_space<vmem>>
        %dma_start3A_833 = arith.constant 0 : i32
        %dma_start3A_834 = tpu.memref_slice %arg3[%dma_start3A_833, %multiple_of3A_821] : memref<64x1000000xf32, #tpu.memory_space<hbm>> -> memref<64x128xf32, #tpu.memory_space<hbm>>
        tpu.enqueue_dma source(%dma_start3A_834 : memref<64x128xf32, #tpu.memory_space<hbm>>) target(%dma_start3A_832 : memref<64x128xf32, #tpu.memory_space<vmem>>) target_semaphore(%arg11 : memref<!tpu.dma_semaphore, #tpu.memory_space<semaphore_mem>>)
      } else {
      }
      %mul3A_488 = arith.constant 8 : i32
      %mul3A_489 = arith.muli %scan3A_171, %mul3A_488 : i32
      %add3A_490 = arith.constant 4 : i32
      %add3A_491 = arith.addi %mul3A_489, %add3A_490 : i32
      %eq3A_492 = arith.constant 256 : i32
      %eq3A_493 = arith.cmpi eq, %add3A_491, %eq3A_492 : i32
      %convert_element_type3A_494 = arith.extui %eq3A_493 : i1 to i32
      %cond3A_495 = arith.constant 0 : i32
      %cond3A_496 = arith.cmpi ne, %convert_element_type3A_494, %cond3A_495 : i32
      scf.if %cond3A_496 {
        "tpu.region"() ({
          %run_scoped3A = tpu.sem_alloc : memref<!tpu.dma_semaphore, #tpu.memory_space<semaphore_mem>>
          %dma_start3A_812 = arith.constant 0 : i32
          %dma_start3A_813 = tpu.memref_slice %arg4[%dma_start3A_812, %mul3A_2] : memref<64x16384xf32, #tpu.memory_space<hbm>> -> memref<64x256xf32, #tpu.memory_space<hbm>>
          %dma_start3A_814 = arith.constant 0 : i32
          %dma_start3A_815 = tpu.memref_slice %arg4[%dma_start3A_814, %mul3A_2] : memref<64x16384xf32, #tpu.memory_space<hbm>> -> memref<64x256xf32, #tpu.memory_space<hbm>>
          tpu.enqueue_dma source(%arg7 : memref<64x256xf32, #tpu.memory_space<vmem>>) target(%dma_start3A_815 : memref<64x256xf32, #tpu.memory_space<hbm>>) target_semaphore(%run_scoped3A : memref<!tpu.dma_semaphore, #tpu.memory_space<semaphore_mem>>)
          %dma_wait3A_816 = arith.constant 0 : i32
          %dma_wait3A_817 = tpu.memref_slice %arg4[%dma_wait3A_816, %mul3A_2] : memref<64x16384xf32, #tpu.memory_space<hbm>> -> memref<64x256xf32, #tpu.memory_space<hbm>>
          %dma_wait3A_818 = arith.constant 0 : i32
          %dma_wait3A_819 = tpu.memref_slice %arg4[%dma_wait3A_818, %mul3A_2] : memref<64x16384xf32, #tpu.memory_space<hbm>> -> memref<64x256xf32, #tpu.memory_space<hbm>>
          tpu.wait_dma2 semaphore(%run_scoped3A : memref<!tpu.dma_semaphore, #tpu.memory_space<semaphore_mem>>) src(%arg7 : memref<64x256xf32, #tpu.memory_space<vmem>>) dst(%dma_wait3A_819 : memref<64x256xf32, #tpu.memory_space<hbm>>)
          tpu.yield
        }) : () -> ()
      } else {
      }
      %dma_wait3A_497 = arith.constant 4 : i32
      %dma_wait3A_498 = arith.constant 0 : i32
      %dma_wait3A_499 = arith.constant 0 : i32
      %dma_wait3A_500 = tpu.memref_slice %arg6[%dma_wait3A_497, %dma_wait3A_498, %dma_wait3A_499] : memref<8x64x128xf32, #tpu.memory_space<vmem>> -> memref<1x64x128xf32, #tpu.memory_space<vmem>>
      %dma_wait3A_501 = tpu.memref_squeeze %dma_wait3A_500 : memref<1x64x128xf32, #tpu.memory_space<vmem>> -> memref<64x128xf32, #tpu.memory_space<vmem>>
      %dma_wait3A_502 = arith.constant 0 : i32
      %dma_wait3A_503 = arith.constant 0 : i32
      %dma_wait3A_504 = tpu.memref_slice %arg3[%dma_wait3A_502, %dma_wait3A_503] : memref<64x1000000xf32, #tpu.memory_space<hbm>> -> memref<64x128xf32, #tpu.memory_space<hbm>>
      %dma_wait3A_505 = arith.constant 0 : i32
      %dma_wait3A_506 = arith.constant 0 : i32
      %dma_wait3A_507 = tpu.memref_slice %arg6[%dma_wait3A_497, %dma_wait3A_505, %dma_wait3A_506] : memref<8x64x128xf32, #tpu.memory_space<vmem>> -> memref<1x64x128xf32, #tpu.memory_space<vmem>>
      %dma_wait3A_508 = tpu.memref_squeeze %dma_wait3A_507 : memref<1x64x128xf32, #tpu.memory_space<vmem>> -> memref<64x128xf32, #tpu.memory_space<vmem>>
      %dma_wait3A_509 = arith.constant 0 : i32
      %dma_wait3A_510 = arith.constant 0 : i32
      %dma_wait3A_511 = tpu.memref_slice %arg3[%dma_wait3A_509, %dma_wait3A_510] : memref<64x1000000xf32, #tpu.memory_space<hbm>> -> memref<64x128xf32, #tpu.memory_space<hbm>>
      tpu.wait_dma2 semaphore(%arg12 : memref<!tpu.dma_semaphore, #tpu.memory_space<semaphore_mem>>) src(%dma_wait3A_511 : memref<64x128xf32, #tpu.memory_space<hbm>>) dst(%dma_wait3A_508 : memref<64x128xf32, #tpu.memory_space<vmem>>)
      %get3A_512 = arith.index_cast %add3A_491 : i32 to index
      %get3A_513 = tpu.vector_load %arg5[%get3A_512] {strides = array<i32>} : memref<528xi32, #tpu.memory_space<vmem>>, vector<16xi32>,
      %slice3A_514 = vector.extract_strided_slice %get3A_513 {offsets = [0], sizes = [1], strides = [1]} : vector<16xi32> to vector<1xi32>
      %squeeze3A_515 = vector.extract %slice3A_514[0] : i32 from vector<1xi32>
      %rem3A_516 = arith.constant 128 : i32
      %rem3A_517 = arith.remsi %squeeze3A_515, %rem3A_516 : i32
      %broadcast_in_dim3A_518 = vector.broadcast %rem3A_517 : i32 to vector<16xi32>
      %rem3A_519 = arith.constant 256 : i32
      %rem3A_520 = arith.remsi %add3A_491, %rem3A_519 : i32
      %broadcast_in_dim3A_521 = vector.broadcast %rem3A_520 : i32 to vector<16xi32>
      %iota3A_522 = tpu.iota {dimensions = array<i32: 0>} : vector<16xi32>
      %add3A_523 = arith.constant 0 : i32
      %add3A_524 = vector.broadcast %add3A_523 : i32 to vector<16xi32>
      %add3A_525 = arith.addi %iota3A_522, %add3A_524 : vector<16xi32>
      %gather3A_526 = arith.constant 4 : i32
      %gather3A_527 = arith.constant 0 : i32
      %gather3A_528 = arith.constant 0 : i32
      %gather3A_529 = tpu.memref_slice %arg6[%gather3A_526, %gather3A_527, %gather3A_528] : memref<8x64x128xf32, #tpu.memory_space<vmem>> -> memref<1x64x128xf32, #tpu.memory_space<vmem>>
      %gather3A_530 = tpu.memref_squeeze %gather3A_529 : memref<1x64x128xf32, #tpu.memory_space<vmem>> -> memref<64x128xf32, #tpu.memory_space<vmem>>
      %gather3A_531 = tpu.vector_load_idx %gather3A_530[%add3A_525, %broadcast_in_dim3A_518] : memref<64x128xf32, #tpu.memory_space<vmem>>[vector<16xi32>, vector<16xi32>], vector<16xf32>,
      tpu.vector_store_idx %arg7[%add3A_525, %broadcast_in_dim3A_521], %gather3A_531 : memref<64x256xf32, #tpu.memory_space<vmem>>[vector<16xi32>, vector<16xi32>], vector<16xf32>,
      %iota3A_532 = tpu.iota {dimensions = array<i32: 0>} : vector<16xi32>
      %add3A_533 = arith.constant 16 : i32
      %add3A_534 = vector.broadcast %add3A_533 : i32 to vector<16xi32>
      %add3A_535 = arith.addi %iota3A_532, %add3A_534 : vector<16xi32>
      %gather3A_536 = arith.constant 4 : i32
      %gather3A_537 = arith.constant 0 : i32
      %gather3A_538 = arith.constant 0 : i32
      %gather3A_539 = tpu.memref_slice %arg6[%gather3A_536, %gather3A_537, %gather3A_538] : memref<8x64x128xf32, #tpu.memory_space<vmem>> -> memref<1x64x128xf32, #tpu.memory_space<vmem>>
      %gather3A_540 = tpu.memref_squeeze %gather3A_539 : memref<1x64x128xf32, #tpu.memory_space<vmem>> -> memref<64x128xf32, #tpu.memory_space<vmem>>
      %gather3A_541 = tpu.vector_load_idx %gather3A_540[%add3A_535, %broadcast_in_dim3A_518] : memref<64x128xf32, #tpu.memory_space<vmem>>[vector<16xi32>, vector<16xi32>], vector<16xf32>,
      tpu.vector_store_idx %arg7[%add3A_535, %broadcast_in_dim3A_521], %gather3A_541 : memref<64x256xf32, #tpu.memory_space<vmem>>[vector<16xi32>, vector<16xi32>], vector<16xf32>,
      %iota3A_542 = tpu.iota {dimensions = array<i32: 0>} : vector<16xi32>
      %add3A_543 = arith.constant 32 : i32
      %add3A_544 = vector.broadcast %add3A_543 : i32 to vector<16xi32>
      %add3A_545 = arith.addi %iota3A_542, %add3A_544 : vector<16xi32>
      %gather3A_546 = arith.constant 4 : i32
      %gather3A_547 = arith.constant 0 : i32
      %gather3A_548 = arith.constant 0 : i32
      %gather3A_549 = tpu.memref_slice %arg6[%gather3A_546, %gather3A_547, %gather3A_548] : memref<8x64x128xf32, #tpu.memory_space<vmem>> -> memref<1x64x128xf32, #tpu.memory_space<vmem>>
      %gather3A_550 = tpu.memref_squeeze %gather3A_549 : memref<1x64x128xf32, #tpu.memory_space<vmem>> -> memref<64x128xf32, #tpu.memory_space<vmem>>
      %gather3A_551 = tpu.vector_load_idx %gather3A_550[%add3A_545, %broadcast_in_dim3A_518] : memref<64x128xf32, #tpu.memory_space<vmem>>[vector<16xi32>, vector<16xi32>], vector<16xf32>,
      tpu.vector_store_idx %arg7[%add3A_545, %broadcast_in_dim3A_521], %gather3A_551 : memref<64x256xf32, #tpu.memory_space<vmem>>[vector<16xi32>, vector<16xi32>], vector<16xf32>,
      %iota3A_552 = tpu.iota {dimensions = array<i32: 0>} : vector<16xi32>
      %add3A_553 = arith.constant 48 : i32
      %add3A_554 = vector.broadcast %add3A_553 : i32 to vector<16xi32>
      %add3A_555 = arith.addi %iota3A_552, %add3A_554 : vector<16xi32>
      %gather3A_556 = arith.constant 4 : i32
      %gather3A_557 = arith.constant 0 : i32
      %gather3A_558 = arith.constant 0 : i32
      %gather3A_559 = tpu.memref_slice %arg6[%gather3A_556, %gather3A_557, %gather3A_558] : memref<8x64x128xf32, #tpu.memory_space<vmem>> -> memref<1x64x128xf32, #tpu.memory_space<vmem>>
      %gather3A_560 = tpu.memref_squeeze %gather3A_559 : memref<1x64x128xf32, #tpu.memory_space<vmem>> -> memref<64x128xf32, #tpu.memory_space<vmem>>
      %gather3A_561 = tpu.vector_load_idx %gather3A_560[%add3A_555, %broadcast_in_dim3A_518] : memref<64x128xf32, #tpu.memory_space<vmem>>[vector<16xi32>, vector<16xi32>], vector<16xf32>,
      tpu.vector_store_idx %arg7[%add3A_555, %broadcast_in_dim3A_521], %gather3A_561 : memref<64x256xf32, #tpu.memory_space<vmem>>[vector<16xi32>, vector<16xi32>], vector<16xf32>,
      %add3A_562 = arith.constant 8 : i32
      %add3A_563 = arith.addi %add3A_491, %add3A_562 : i32
      %lt3A_564 = arith.constant 512 : i32
      %lt3A_565 = arith.cmpi slt, %add3A_563, %lt3A_564 : i32
      %convert_element_type3A_566 = arith.extui %lt3A_565 : i1 to i32
      %cond3A_567 = arith.constant 0 : i32
      %cond3A_568 = arith.cmpi ne, %convert_element_type3A_566, %cond3A_567 : i32
      scf.if %cond3A_568 {
        %add3A_812 = arith.constant 8 : i32
        %add3A_813 = arith.addi %add3A_491, %add3A_812 : i32
        %get3A_814 = arith.index_cast %add3A_813 : i32 to index
        %get3A_815 = tpu.vector_load %arg5[%get3A_814] {strides = array<i32>} : memref<528xi32, #tpu.memory_space<vmem>>, vector<16xi32>,
        %slice3A_816 = vector.extract_strided_slice %get3A_815 {offsets = [0], sizes = [1], strides = [1]} : vector<16xi32> to vector<1xi32>
        %squeeze3A_817 = vector.extract %slice3A_816[0] : i32 from vector<1xi32>
        %rem3A_818 = arith.constant 128 : i32
        %rem3A_819 = arith.remsi %squeeze3A_817, %rem3A_818 : i32
        %sub3A_820 = arith.subi %squeeze3A_817, %rem3A_819 : i32
        %multiple_of3A_821 = tpu.assume_multiple %sub3A_820, 128 : i32
        %dma_start3A_822 = arith.constant 4 : i32
        %dma_start3A_823 = arith.constant 0 : i32
        %dma_start3A_824 = arith.constant 0 : i32
        %dma_start3A_825 = tpu.memref_slice %arg6[%dma_start3A_822, %dma_start3A_823, %dma_start3A_824] : memref<8x64x128xf32, #tpu.memory_space<vmem>> -> memref<1x64x128xf32, #tpu.memory_space<vmem>>
        %dma_start3A_826 = tpu.memref_squeeze %dma_start3A_825 : memref<1x64x128xf32, #tpu.memory_space<vmem>> -> memref<64x128xf32, #tpu.memory_space<vmem>>
        %dma_start3A_827 = arith.constant 0 : i32
        %dma_start3A_828 = tpu.memref_slice %arg3[%dma_start3A_827, %multiple_of3A_821] : memref<64x1000000xf32, #tpu.memory_space<hbm>> -> memref<64x128xf32, #tpu.memory_space<hbm>>
        %dma_start3A_829 = arith.constant 0 : i32
        %dma_start3A_830 = arith.constant 0 : i32
        %dma_start3A_831 = tpu.memref_slice %arg6[%dma_start3A_822, %dma_start3A_829, %dma_start3A_830] : memref<8x64x128xf32, #tpu.memory_space<vmem>> -> memref<1x64x128xf32, #tpu.memory_space<vmem>>
        %dma_start3A_832 = tpu.memref_squeeze %dma_start3A_831 : memref<1x64x128xf32, #tpu.memory_space<vmem>> -> memref<64x128xf32, #tpu.memory_space<vmem>>
        %dma_start3A_833 = arith.constant 0 : i32
        %dma_start3A_834 = tpu.memref_slice %arg3[%dma_start3A_833, %multiple_of3A_821] : memref<64x1000000xf32, #tpu.memory_space<hbm>> -> memref<64x128xf32, #tpu.memory_space<hbm>>
        tpu.enqueue_dma source(%dma_start3A_834 : memref<64x128xf32, #tpu.memory_space<hbm>>) target(%dma_start3A_832 : memref<64x128xf32, #tpu.memory_space<vmem>>) target_semaphore(%arg12 : memref<!tpu.dma_semaphore, #tpu.memory_space<semaphore_mem>>)
      } else {
      }
      %mul3A_569 = arith.constant 8 : i32
      %mul3A_570 = arith.muli %scan3A_171, %mul3A_569 : i32
      %add3A_571 = arith.constant 5 : i32
      %add3A_572 = arith.addi %mul3A_570, %add3A_571 : i32
      %eq3A_573 = arith.constant 256 : i32
      %eq3A_574 = arith.cmpi eq, %add3A_572, %eq3A_573 : i32
      %convert_element_type3A_575 = arith.extui %eq3A_574 : i1 to i32
      %cond3A_576 = arith.constant 0 : i32
      %cond3A_577 = arith.cmpi ne, %convert_element_type3A_575, %cond3A_576 : i32
      scf.if %cond3A_577 {
        "tpu.region"() ({
          %run_scoped3A = tpu.sem_alloc : memref<!tpu.dma_semaphore, #tpu.memory_space<semaphore_mem>>
          %dma_start3A_812 = arith.constant 0 : i32
          %dma_start3A_813 = tpu.memref_slice %arg4[%dma_start3A_812, %mul3A_2] : memref<64x16384xf32, #tpu.memory_space<hbm>> -> memref<64x256xf32, #tpu.memory_space<hbm>>
          %dma_start3A_814 = arith.constant 0 : i32
          %dma_start3A_815 = tpu.memref_slice %arg4[%dma_start3A_814, %mul3A_2] : memref<64x16384xf32, #tpu.memory_space<hbm>> -> memref<64x256xf32, #tpu.memory_space<hbm>>
          tpu.enqueue_dma source(%arg7 : memref<64x256xf32, #tpu.memory_space<vmem>>) target(%dma_start3A_815 : memref<64x256xf32, #tpu.memory_space<hbm>>) target_semaphore(%run_scoped3A : memref<!tpu.dma_semaphore, #tpu.memory_space<semaphore_mem>>)
          %dma_wait3A_816 = arith.constant 0 : i32
          %dma_wait3A_817 = tpu.memref_slice %arg4[%dma_wait3A_816, %mul3A_2] : memref<64x16384xf32, #tpu.memory_space<hbm>> -> memref<64x256xf32, #tpu.memory_space<hbm>>
          %dma_wait3A_818 = arith.constant 0 : i32
          %dma_wait3A_819 = tpu.memref_slice %arg4[%dma_wait3A_818, %mul3A_2] : memref<64x16384xf32, #tpu.memory_space<hbm>> -> memref<64x256xf32, #tpu.memory_space<hbm>>
          tpu.wait_dma2 semaphore(%run_scoped3A : memref<!tpu.dma_semaphore, #tpu.memory_space<semaphore_mem>>) src(%arg7 : memref<64x256xf32, #tpu.memory_space<vmem>>) dst(%dma_wait3A_819 : memref<64x256xf32, #tpu.memory_space<hbm>>)
          tpu.yield
        }) : () -> ()
      } else {
      }
      %dma_wait3A_578 = arith.constant 5 : i32
      %dma_wait3A_579 = arith.constant 0 : i32
      %dma_wait3A_580 = arith.constant 0 : i32
      %dma_wait3A_581 = tpu.memref_slice %arg6[%dma_wait3A_578, %dma_wait3A_579, %dma_wait3A_580] : memref<8x64x128xf32, #tpu.memory_space<vmem>> -> memref<1x64x128xf32, #tpu.memory_space<vmem>>
      %dma_wait3A_582 = tpu.memref_squeeze %dma_wait3A_581 : memref<1x64x128xf32, #tpu.memory_space<vmem>> -> memref<64x128xf32, #tpu.memory_space<vmem>>
      %dma_wait3A_583 = arith.constant 0 : i32
      %dma_wait3A_584 = arith.constant 0 : i32
      %dma_wait3A_585 = tpu.memref_slice %arg3[%dma_wait3A_583, %dma_wait3A_584] : memref<64x1000000xf32, #tpu.memory_space<hbm>> -> memref<64x128xf32, #tpu.memory_space<hbm>>
      %dma_wait3A_586 = arith.constant 0 : i32
      %dma_wait3A_587 = arith.constant 0 : i32
      %dma_wait3A_588 = tpu.memref_slice %arg6[%dma_wait3A_578, %dma_wait3A_586, %dma_wait3A_587] : memref<8x64x128xf32, #tpu.memory_space<vmem>> -> memref<1x64x128xf32, #tpu.memory_space<vmem>>
      %dma_wait3A_589 = tpu.memref_squeeze %dma_wait3A_588 : memref<1x64x128xf32, #tpu.memory_space<vmem>> -> memref<64x128xf32, #tpu.memory_space<vmem>>
      %dma_wait3A_590 = arith.constant 0 : i32
      %dma_wait3A_591 = arith.constant 0 : i32
      %dma_wait3A_592 = tpu.memref_slice %arg3[%dma_wait3A_590, %dma_wait3A_591] : memref<64x1000000xf32, #tpu.memory_space<hbm>> -> memref<64x128xf32, #tpu.memory_space<hbm>>
      tpu.wait_dma2 semaphore(%arg13 : memref<!tpu.dma_semaphore, #tpu.memory_space<semaphore_mem>>) src(%dma_wait3A_592 : memref<64x128xf32, #tpu.memory_space<hbm>>) dst(%dma_wait3A_589 : memref<64x128xf32, #tpu.memory_space<vmem>>)
      %get3A_593 = arith.index_cast %add3A_572 : i32 to index
      %get3A_594 = tpu.vector_load %arg5[%get3A_593] {strides = array<i32>} : memref<528xi32, #tpu.memory_space<vmem>>, vector<16xi32>,
      %slice3A_595 = vector.extract_strided_slice %get3A_594 {offsets = [0], sizes = [1], strides = [1]} : vector<16xi32> to vector<1xi32>
      %squeeze3A_596 = vector.extract %slice3A_595[0] : i32 from vector<1xi32>
      %rem3A_597 = arith.constant 128 : i32
      %rem3A_598 = arith.remsi %squeeze3A_596, %rem3A_597 : i32
      %broadcast_in_dim3A_599 = vector.broadcast %rem3A_598 : i32 to vector<16xi32>
      %rem3A_600 = arith.constant 256 : i32
      %rem3A_601 = arith.remsi %add3A_572, %rem3A_600 : i32
      %broadcast_in_dim3A_602 = vector.broadcast %rem3A_601 : i32 to vector<16xi32>
      %iota3A_603 = tpu.iota {dimensions = array<i32: 0>} : vector<16xi32>
      %add3A_604 = arith.constant 0 : i32
      %add3A_605 = vector.broadcast %add3A_604 : i32 to vector<16xi32>
      %add3A_606 = arith.addi %iota3A_603, %add3A_605 : vector<16xi32>
      %gather3A_607 = arith.constant 5 : i32
      %gather3A_608 = arith.constant 0 : i32
      %gather3A_609 = arith.constant 0 : i32
      %gather3A_610 = tpu.memref_slice %arg6[%gather3A_607, %gather3A_608, %gather3A_609] : memref<8x64x128xf32, #tpu.memory_space<vmem>> -> memref<1x64x128xf32, #tpu.memory_space<vmem>>
      %gather3A_611 = tpu.memref_squeeze %gather3A_610 : memref<1x64x128xf32, #tpu.memory_space<vmem>> -> memref<64x128xf32, #tpu.memory_space<vmem>>
      %gather3A_612 = tpu.vector_load_idx %gather3A_611[%add3A_606, %broadcast_in_dim3A_599] : memref<64x128xf32, #tpu.memory_space<vmem>>[vector<16xi32>, vector<16xi32>], vector<16xf32>,
      tpu.vector_store_idx %arg7[%add3A_606, %broadcast_in_dim3A_602], %gather3A_612 : memref<64x256xf32, #tpu.memory_space<vmem>>[vector<16xi32>, vector<16xi32>], vector<16xf32>,
      %iota3A_613 = tpu.iota {dimensions = array<i32: 0>} : vector<16xi32>
      %add3A_614 = arith.constant 16 : i32
      %add3A_615 = vector.broadcast %add3A_614 : i32 to vector<16xi32>
      %add3A_616 = arith.addi %iota3A_613, %add3A_615 : vector<16xi32>
      %gather3A_617 = arith.constant 5 : i32
      %gather3A_618 = arith.constant 0 : i32
      %gather3A_619 = arith.constant 0 : i32
      %gather3A_620 = tpu.memref_slice %arg6[%gather3A_617, %gather3A_618, %gather3A_619] : memref<8x64x128xf32, #tpu.memory_space<vmem>> -> memref<1x64x128xf32, #tpu.memory_space<vmem>>
      %gather3A_621 = tpu.memref_squeeze %gather3A_620 : memref<1x64x128xf32, #tpu.memory_space<vmem>> -> memref<64x128xf32, #tpu.memory_space<vmem>>
      %gather3A_622 = tpu.vector_load_idx %gather3A_621[%add3A_616, %broadcast_in_dim3A_599] : memref<64x128xf32, #tpu.memory_space<vmem>>[vector<16xi32>, vector<16xi32>], vector<16xf32>,
      tpu.vector_store_idx %arg7[%add3A_616, %broadcast_in_dim3A_602], %gather3A_622 : memref<64x256xf32, #tpu.memory_space<vmem>>[vector<16xi32>, vector<16xi32>], vector<16xf32>,
      %iota3A_623 = tpu.iota {dimensions = array<i32: 0>} : vector<16xi32>
      %add3A_624 = arith.constant 32 : i32
      %add3A_625 = vector.broadcast %add3A_624 : i32 to vector<16xi32>
      %add3A_626 = arith.addi %iota3A_623, %add3A_625 : vector<16xi32>
      %gather3A_627 = arith.constant 5 : i32
      %gather3A_628 = arith.constant 0 : i32
      %gather3A_629 = arith.constant 0 : i32
      %gather3A_630 = tpu.memref_slice %arg6[%gather3A_627, %gather3A_628, %gather3A_629] : memref<8x64x128xf32, #tpu.memory_space<vmem>> -> memref<1x64x128xf32, #tpu.memory_space<vmem>>
      %gather3A_631 = tpu.memref_squeeze %gather3A_630 : memref<1x64x128xf32, #tpu.memory_space<vmem>> -> memref<64x128xf32, #tpu.memory_space<vmem>>
      %gather3A_632 = tpu.vector_load_idx %gather3A_631[%add3A_626, %broadcast_in_dim3A_599] : memref<64x128xf32, #tpu.memory_space<vmem>>[vector<16xi32>, vector<16xi32>], vector<16xf32>,
      tpu.vector_store_idx %arg7[%add3A_626, %broadcast_in_dim3A_602], %gather3A_632 : memref<64x256xf32, #tpu.memory_space<vmem>>[vector<16xi32>, vector<16xi32>], vector<16xf32>,
      %iota3A_633 = tpu.iota {dimensions = array<i32: 0>} : vector<16xi32>
      %add3A_634 = arith.constant 48 : i32
      %add3A_635 = vector.broadcast %add3A_634 : i32 to vector<16xi32>
      %add3A_636 = arith.addi %iota3A_633, %add3A_635 : vector<16xi32>
      %gather3A_637 = arith.constant 5 : i32
      %gather3A_638 = arith.constant 0 : i32
      %gather3A_639 = arith.constant 0 : i32
      %gather3A_640 = tpu.memref_slice %arg6[%gather3A_637, %gather3A_638, %gather3A_639] : memref<8x64x128xf32, #tpu.memory_space<vmem>> -> memref<1x64x128xf32, #tpu.memory_space<vmem>>
      %gather3A_641 = tpu.memref_squeeze %gather3A_640 : memref<1x64x128xf32, #tpu.memory_space<vmem>> -> memref<64x128xf32, #tpu.memory_space<vmem>>
      %gather3A_642 = tpu.vector_load_idx %gather3A_641[%add3A_636, %broadcast_in_dim3A_599] : memref<64x128xf32, #tpu.memory_space<vmem>>[vector<16xi32>, vector<16xi32>], vector<16xf32>,
      tpu.vector_store_idx %arg7[%add3A_636, %broadcast_in_dim3A_602], %gather3A_642 : memref<64x256xf32, #tpu.memory_space<vmem>>[vector<16xi32>, vector<16xi32>], vector<16xf32>,
      %add3A_643 = arith.constant 8 : i32
      %add3A_644 = arith.addi %add3A_572, %add3A_643 : i32
      %lt3A_645 = arith.constant 512 : i32
      %lt3A_646 = arith.cmpi slt, %add3A_644, %lt3A_645 : i32
      %convert_element_type3A_647 = arith.extui %lt3A_646 : i1 to i32
      %cond3A_648 = arith.constant 0 : i32
      %cond3A_649 = arith.cmpi ne, %convert_element_type3A_647, %cond3A_648 : i32
      scf.if %cond3A_649 {
        %add3A_812 = arith.constant 8 : i32
        %add3A_813 = arith.addi %add3A_572, %add3A_812 : i32
        %get3A_814 = arith.index_cast %add3A_813 : i32 to index
        %get3A_815 = tpu.vector_load %arg5[%get3A_814] {strides = array<i32>} : memref<528xi32, #tpu.memory_space<vmem>>, vector<16xi32>,
        %slice3A_816 = vector.extract_strided_slice %get3A_815 {offsets = [0], sizes = [1], strides = [1]} : vector<16xi32> to vector<1xi32>
        %squeeze3A_817 = vector.extract %slice3A_816[0] : i32 from vector<1xi32>
        %rem3A_818 = arith.constant 128 : i32
        %rem3A_819 = arith.remsi %squeeze3A_817, %rem3A_818 : i32
        %sub3A_820 = arith.subi %squeeze3A_817, %rem3A_819 : i32
        %multiple_of3A_821 = tpu.assume_multiple %sub3A_820, 128 : i32
        %dma_start3A_822 = arith.constant 5 : i32
        %dma_start3A_823 = arith.constant 0 : i32
        %dma_start3A_824 = arith.constant 0 : i32
        %dma_start3A_825 = tpu.memref_slice %arg6[%dma_start3A_822, %dma_start3A_823, %dma_start3A_824] : memref<8x64x128xf32, #tpu.memory_space<vmem>> -> memref<1x64x128xf32, #tpu.memory_space<vmem>>
        %dma_start3A_826 = tpu.memref_squeeze %dma_start3A_825 : memref<1x64x128xf32, #tpu.memory_space<vmem>> -> memref<64x128xf32, #tpu.memory_space<vmem>>
        %dma_start3A_827 = arith.constant 0 : i32
        %dma_start3A_828 = tpu.memref_slice %arg3[%dma_start3A_827, %multiple_of3A_821] : memref<64x1000000xf32, #tpu.memory_space<hbm>> -> memref<64x128xf32, #tpu.memory_space<hbm>>
        %dma_start3A_829 = arith.constant 0 : i32
        %dma_start3A_830 = arith.constant 0 : i32
        %dma_start3A_831 = tpu.memref_slice %arg6[%dma_start3A_822, %dma_start3A_829, %dma_start3A_830] : memref<8x64x128xf32, #tpu.memory_space<vmem>> -> memref<1x64x128xf32, #tpu.memory_space<vmem>>
        %dma_start3A_832 = tpu.memref_squeeze %dma_start3A_831 : memref<1x64x128xf32, #tpu.memory_space<vmem>> -> memref<64x128xf32, #tpu.memory_space<vmem>>
        %dma_start3A_833 = arith.constant 0 : i32
        %dma_start3A_834 = tpu.memref_slice %arg3[%dma_start3A_833, %multiple_of3A_821] : memref<64x1000000xf32, #tpu.memory_space<hbm>> -> memref<64x128xf32, #tpu.memory_space<hbm>>
        tpu.enqueue_dma source(%dma_start3A_834 : memref<64x128xf32, #tpu.memory_space<hbm>>) target(%dma_start3A_832 : memref<64x128xf32, #tpu.memory_space<vmem>>) target_semaphore(%arg13 : memref<!tpu.dma_semaphore, #tpu.memory_space<semaphore_mem>>)
      } else {
      }
      %mul3A_650 = arith.constant 8 : i32
      %mul3A_651 = arith.muli %scan3A_171, %mul3A_650 : i32
      %add3A_652 = arith.constant 6 : i32
      %add3A_653 = arith.addi %mul3A_651, %add3A_652 : i32
      %eq3A_654 = arith.constant 256 : i32
      %eq3A_655 = arith.cmpi eq, %add3A_653, %eq3A_654 : i32
      %convert_element_type3A_656 = arith.extui %eq3A_655 : i1 to i32
      %cond3A_657 = arith.constant 0 : i32
      %cond3A_658 = arith.cmpi ne, %convert_element_type3A_656, %cond3A_657 : i32
      scf.if %cond3A_658 {
        "tpu.region"() ({
          %run_scoped3A = tpu.sem_alloc : memref<!tpu.dma_semaphore, #tpu.memory_space<semaphore_mem>>
          %dma_start3A_812 = arith.constant 0 : i32
          %dma_start3A_813 = tpu.memref_slice %arg4[%dma_start3A_812, %mul3A_2] : memref<64x16384xf32, #tpu.memory_space<hbm>> -> memref<64x256xf32, #tpu.memory_space<hbm>>
          %dma_start3A_814 = arith.constant 0 : i32
          %dma_start3A_815 = tpu.memref_slice %arg4[%dma_start3A_814, %mul3A_2] : memref<64x16384xf32, #tpu.memory_space<hbm>> -> memref<64x256xf32, #tpu.memory_space<hbm>>
          tpu.enqueue_dma source(%arg7 : memref<64x256xf32, #tpu.memory_space<vmem>>) target(%dma_start3A_815 : memref<64x256xf32, #tpu.memory_space<hbm>>) target_semaphore(%run_scoped3A : memref<!tpu.dma_semaphore, #tpu.memory_space<semaphore_mem>>)
          %dma_wait3A_816 = arith.constant 0 : i32
          %dma_wait3A_817 = tpu.memref_slice %arg4[%dma_wait3A_816, %mul3A_2] : memref<64x16384xf32, #tpu.memory_space<hbm>> -> memref<64x256xf32, #tpu.memory_space<hbm>>
          %dma_wait3A_818 = arith.constant 0 : i32
          %dma_wait3A_819 = tpu.memref_slice %arg4[%dma_wait3A_818, %mul3A_2] : memref<64x16384xf32, #tpu.memory_space<hbm>> -> memref<64x256xf32, #tpu.memory_space<hbm>>
          tpu.wait_dma2 semaphore(%run_scoped3A : memref<!tpu.dma_semaphore, #tpu.memory_space<semaphore_mem>>) src(%arg7 : memref<64x256xf32, #tpu.memory_space<vmem>>) dst(%dma_wait3A_819 : memref<64x256xf32, #tpu.memory_space<hbm>>)
          tpu.yield
        }) : () -> ()
      } else {
      }
      %dma_wait3A_659 = arith.constant 6 : i32
      %dma_wait3A_660 = arith.constant 0 : i32
      %dma_wait3A_661 = arith.constant 0 : i32
      %dma_wait3A_662 = tpu.memref_slice %arg6[%dma_wait3A_659, %dma_wait3A_660, %dma_wait3A_661] : memref<8x64x128xf32, #tpu.memory_space<vmem>> -> memref<1x64x128xf32, #tpu.memory_space<vmem>>
      %dma_wait3A_663 = tpu.memref_squeeze %dma_wait3A_662 : memref<1x64x128xf32, #tpu.memory_space<vmem>> -> memref<64x128xf32, #tpu.memory_space<vmem>>
      %dma_wait3A_664 = arith.constant 0 : i32
      %dma_wait3A_665 = arith.constant 0 : i32
      %dma_wait3A_666 = tpu.memref_slice %arg3[%dma_wait3A_664, %dma_wait3A_665] : memref<64x1000000xf32, #tpu.memory_space<hbm>> -> memref<64x128xf32, #tpu.memory_space<hbm>>
      %dma_wait3A_667 = arith.constant 0 : i32
      %dma_wait3A_668 = arith.constant 0 : i32
      %dma_wait3A_669 = tpu.memref_slice %arg6[%dma_wait3A_659, %dma_wait3A_667, %dma_wait3A_668] : memref<8x64x128xf32, #tpu.memory_space<vmem>> -> memref<1x64x128xf32, #tpu.memory_space<vmem>>
      %dma_wait3A_670 = tpu.memref_squeeze %dma_wait3A_669 : memref<1x64x128xf32, #tpu.memory_space<vmem>> -> memref<64x128xf32, #tpu.memory_space<vmem>>
      %dma_wait3A_671 = arith.constant 0 : i32
      %dma_wait3A_672 = arith.constant 0 : i32
      %dma_wait3A_673 = tpu.memref_slice %arg3[%dma_wait3A_671, %dma_wait3A_672] : memref<64x1000000xf32, #tpu.memory_space<hbm>> -> memref<64x128xf32, #tpu.memory_space<hbm>>
      tpu.wait_dma2 semaphore(%arg14 : memref<!tpu.dma_semaphore, #tpu.memory_space<semaphore_mem>>) src(%dma_wait3A_673 : memref<64x128xf32, #tpu.memory_space<hbm>>) dst(%dma_wait3A_670 : memref<64x128xf32, #tpu.memory_space<vmem>>)
      %get3A_674 = arith.index_cast %add3A_653 : i32 to index
      %get3A_675 = tpu.vector_load %arg5[%get3A_674] {strides = array<i32>} : memref<528xi32, #tpu.memory_space<vmem>>, vector<16xi32>,
      %slice3A_676 = vector.extract_strided_slice %get3A_675 {offsets = [0], sizes = [1], strides = [1]} : vector<16xi32> to vector<1xi32>
      %squeeze3A_677 = vector.extract %slice3A_676[0] : i32 from vector<1xi32>
      %rem3A_678 = arith.constant 128 : i32
      %rem3A_679 = arith.remsi %squeeze3A_677, %rem3A_678 : i32
      %broadcast_in_dim3A_680 = vector.broadcast %rem3A_679 : i32 to vector<16xi32>
      %rem3A_681 = arith.constant 256 : i32
      %rem3A_682 = arith.remsi %add3A_653, %rem3A_681 : i32
      %broadcast_in_dim3A_683 = vector.broadcast %rem3A_682 : i32 to vector<16xi32>
      %iota3A_684 = tpu.iota {dimensions = array<i32: 0>} : vector<16xi32>
      %add3A_685 = arith.constant 0 : i32
      %add3A_686 = vector.broadcast %add3A_685 : i32 to vector<16xi32>
      %add3A_687 = arith.addi %iota3A_684, %add3A_686 : vector<16xi32>
      %gather3A_688 = arith.constant 6 : i32
      %gather3A_689 = arith.constant 0 : i32
      %gather3A_690 = arith.constant 0 : i32
      %gather3A_691 = tpu.memref_slice %arg6[%gather3A_688, %gather3A_689, %gather3A_690] : memref<8x64x128xf32, #tpu.memory_space<vmem>> -> memref<1x64x128xf32, #tpu.memory_space<vmem>>
      %gather3A_692 = tpu.memref_squeeze %gather3A_691 : memref<1x64x128xf32, #tpu.memory_space<vmem>> -> memref<64x128xf32, #tpu.memory_space<vmem>>
      %gather3A_693 = tpu.vector_load_idx %gather3A_692[%add3A_687, %broadcast_in_dim3A_680] : memref<64x128xf32, #tpu.memory_space<vmem>>[vector<16xi32>, vector<16xi32>], vector<16xf32>,
      tpu.vector_store_idx %arg7[%add3A_687, %broadcast_in_dim3A_683], %gather3A_693 : memref<64x256xf32, #tpu.memory_space<vmem>>[vector<16xi32>, vector<16xi32>], vector<16xf32>,
      %iota3A_694 = tpu.iota {dimensions = array<i32: 0>} : vector<16xi32>
      %add3A_695 = arith.constant 16 : i32
      %add3A_696 = vector.broadcast %add3A_695 : i32 to vector<16xi32>
      %add3A_697 = arith.addi %iota3A_694, %add3A_696 : vector<16xi32>
      %gather3A_698 = arith.constant 6 : i32
      %gather3A_699 = arith.constant 0 : i32
      %gather3A_700 = arith.constant 0 : i32
      %gather3A_701 = tpu.memref_slice %arg6[%gather3A_698, %gather3A_699, %gather3A_700] : memref<8x64x128xf32, #tpu.memory_space<vmem>> -> memref<1x64x128xf32, #tpu.memory_space<vmem>>
      %gather3A_702 = tpu.memref_squeeze %gather3A_701 : memref<1x64x128xf32, #tpu.memory_space<vmem>> -> memref<64x128xf32, #tpu.memory_space<vmem>>
      %gather3A_703 = tpu.vector_load_idx %gather3A_702[%add3A_697, %broadcast_in_dim3A_680] : memref<64x128xf32, #tpu.memory_space<vmem>>[vector<16xi32>, vector<16xi32>], vector<16xf32>,
      tpu.vector_store_idx %arg7[%add3A_697, %broadcast_in_dim3A_683], %gather3A_703 : memref<64x256xf32, #tpu.memory_space<vmem>>[vector<16xi32>, vector<16xi32>], vector<16xf32>,
      %iota3A_704 = tpu.iota {dimensions = array<i32: 0>} : vector<16xi32>
      %add3A_705 = arith.constant 32 : i32
      %add3A_706 = vector.broadcast %add3A_705 : i32 to vector<16xi32>
      %add3A_707 = arith.addi %iota3A_704, %add3A_706 : vector<16xi32>
      %gather3A_708 = arith.constant 6 : i32
      %gather3A_709 = arith.constant 0 : i32
      %gather3A_710 = arith.constant 0 : i32
      %gather3A_711 = tpu.memref_slice %arg6[%gather3A_708, %gather3A_709, %gather3A_710] : memref<8x64x128xf32, #tpu.memory_space<vmem>> -> memref<1x64x128xf32, #tpu.memory_space<vmem>>
      %gather3A_712 = tpu.memref_squeeze %gather3A_711 : memref<1x64x128xf32, #tpu.memory_space<vmem>> -> memref<64x128xf32, #tpu.memory_space<vmem>>
      %gather3A_713 = tpu.vector_load_idx %gather3A_712[%add3A_707, %broadcast_in_dim3A_680] : memref<64x128xf32, #tpu.memory_space<vmem>>[vector<16xi32>, vector<16xi32>], vector<16xf32>,
      tpu.vector_store_idx %arg7[%add3A_707, %broadcast_in_dim3A_683], %gather3A_713 : memref<64x256xf32, #tpu.memory_space<vmem>>[vector<16xi32>, vector<16xi32>], vector<16xf32>,
      %iota3A_714 = tpu.iota {dimensions = array<i32: 0>} : vector<16xi32>
      %add3A_715 = arith.constant 48 : i32
      %add3A_716 = vector.broadcast %add3A_715 : i32 to vector<16xi32>
      %add3A_717 = arith.addi %iota3A_714, %add3A_716 : vector<16xi32>
      %gather3A_718 = arith.constant 6 : i32
      %gather3A_719 = arith.constant 0 : i32
      %gather3A_720 = arith.constant 0 : i32
      %gather3A_721 = tpu.memref_slice %arg6[%gather3A_718, %gather3A_719, %gather3A_720] : memref<8x64x128xf32, #tpu.memory_space<vmem>> -> memref<1x64x128xf32, #tpu.memory_space<vmem>>
      %gather3A_722 = tpu.memref_squeeze %gather3A_721 : memref<1x64x128xf32, #tpu.memory_space<vmem>> -> memref<64x128xf32, #tpu.memory_space<vmem>>
      %gather3A_723 = tpu.vector_load_idx %gather3A_722[%add3A_717, %broadcast_in_dim3A_680] : memref<64x128xf32, #tpu.memory_space<vmem>>[vector<16xi32>, vector<16xi32>], vector<16xf32>,
      tpu.vector_store_idx %arg7[%add3A_717, %broadcast_in_dim3A_683], %gather3A_723 : memref<64x256xf32, #tpu.memory_space<vmem>>[vector<16xi32>, vector<16xi32>], vector<16xf32>,
      %add3A_724 = arith.constant 8 : i32
      %add3A_725 = arith.addi %add3A_653, %add3A_724 : i32
      %lt3A_726 = arith.constant 512 : i32
      %lt3A_727 = arith.cmpi slt, %add3A_725, %lt3A_726 : i32
      %convert_element_type3A_728 = arith.extui %lt3A_727 : i1 to i32
      %cond3A_729 = arith.constant 0 : i32
      %cond3A_730 = arith.cmpi ne, %convert_element_type3A_728, %cond3A_729 : i32
      scf.if %cond3A_730 {
        %add3A_812 = arith.constant 8 : i32
        %add3A_813 = arith.addi %add3A_653, %add3A_812 : i32
        %get3A_814 = arith.index_cast %add3A_813 : i32 to index
        %get3A_815 = tpu.vector_load %arg5[%get3A_814] {strides = array<i32>} : memref<528xi32, #tpu.memory_space<vmem>>, vector<16xi32>,
        %slice3A_816 = vector.extract_strided_slice %get3A_815 {offsets = [0], sizes = [1], strides = [1]} : vector<16xi32> to vector<1xi32>
        %squeeze3A_817 = vector.extract %slice3A_816[0] : i32 from vector<1xi32>
        %rem3A_818 = arith.constant 128 : i32
        %rem3A_819 = arith.remsi %squeeze3A_817, %rem3A_818 : i32
        %sub3A_820 = arith.subi %squeeze3A_817, %rem3A_819 : i32
        %multiple_of3A_821 = tpu.assume_multiple %sub3A_820, 128 : i32
        %dma_start3A_822 = arith.constant 6 : i32
        %dma_start3A_823 = arith.constant 0 : i32
        %dma_start3A_824 = arith.constant 0 : i32
        %dma_start3A_825 = tpu.memref_slice %arg6[%dma_start3A_822, %dma_start3A_823, %dma_start3A_824] : memref<8x64x128xf32, #tpu.memory_space<vmem>> -> memref<1x64x128xf32, #tpu.memory_space<vmem>>
        %dma_start3A_826 = tpu.memref_squeeze %dma_start3A_825 : memref<1x64x128xf32, #tpu.memory_space<vmem>> -> memref<64x128xf32, #tpu.memory_space<vmem>>
        %dma_start3A_827 = arith.constant 0 : i32
        %dma_start3A_828 = tpu.memref_slice %arg3[%dma_start3A_827, %multiple_of3A_821] : memref<64x1000000xf32, #tpu.memory_space<hbm>> -> memref<64x128xf32, #tpu.memory_space<hbm>>
        %dma_start3A_829 = arith.constant 0 : i32
        %dma_start3A_830 = arith.constant 0 : i32
        %dma_start3A_831 = tpu.memref_slice %arg6[%dma_start3A_822, %dma_start3A_829, %dma_start3A_830] : memref<8x64x128xf32, #tpu.memory_space<vmem>> -> memref<1x64x128xf32, #tpu.memory_space<vmem>>
        %dma_start3A_832 = tpu.memref_squeeze %dma_start3A_831 : memref<1x64x128xf32, #tpu.memory_space<vmem>> -> memref<64x128xf32, #tpu.memory_space<vmem>>
        %dma_start3A_833 = arith.constant 0 : i32
        %dma_start3A_834 = tpu.memref_slice %arg3[%dma_start3A_833, %multiple_of3A_821] : memref<64x1000000xf32, #tpu.memory_space<hbm>> -> memref<64x128xf32, #tpu.memory_space<hbm>>
        tpu.enqueue_dma source(%dma_start3A_834 : memref<64x128xf32, #tpu.memory_space<hbm>>) target(%dma_start3A_832 : memref<64x128xf32, #tpu.memory_space<vmem>>) target_semaphore(%arg14 : memref<!tpu.dma_semaphore, #tpu.memory_space<semaphore_mem>>)
      } else {
      }
      %mul3A_731 = arith.constant 8 : i32
      %mul3A_732 = arith.muli %scan3A_171, %mul3A_731 : i32
      %add3A_733 = arith.constant 7 : i32
      %add3A_734 = arith.addi %mul3A_732, %add3A_733 : i32
      %eq3A_735 = arith.constant 256 : i32
      %eq3A_736 = arith.cmpi eq, %add3A_734, %eq3A_735 : i32
      %convert_element_type3A_737 = arith.extui %eq3A_736 : i1 to i32
      %cond3A_738 = arith.constant 0 : i32
      %cond3A_739 = arith.cmpi ne, %convert_element_type3A_737, %cond3A_738 : i32
      scf.if %cond3A_739 {
        "tpu.region"() ({
          %run_scoped3A = tpu.sem_alloc : memref<!tpu.dma_semaphore, #tpu.memory_space<semaphore_mem>>
          %dma_start3A_812 = arith.constant 0 : i32
          %dma_start3A_813 = tpu.memref_slice %arg4[%dma_start3A_812, %mul3A_2] : memref<64x16384xf32, #tpu.memory_space<hbm>> -> memref<64x256xf32, #tpu.memory_space<hbm>>
          %dma_start3A_814 = arith.constant 0 : i32
          %dma_start3A_815 = tpu.memref_slice %arg4[%dma_start3A_814, %mul3A_2] : memref<64x16384xf32, #tpu.memory_space<hbm>> -> memref<64x256xf32, #tpu.memory_space<hbm>>
          tpu.enqueue_dma source(%arg7 : memref<64x256xf32, #tpu.memory_space<vmem>>) target(%dma_start3A_815 : memref<64x256xf32, #tpu.memory_space<hbm>>) target_semaphore(%run_scoped3A : memref<!tpu.dma_semaphore, #tpu.memory_space<semaphore_mem>>)
          %dma_wait3A_816 = arith.constant 0 : i32
          %dma_wait3A_817 = tpu.memref_slice %arg4[%dma_wait3A_816, %mul3A_2] : memref<64x16384xf32, #tpu.memory_space<hbm>> -> memref<64x256xf32, #tpu.memory_space<hbm>>
          %dma_wait3A_818 = arith.constant 0 : i32
          %dma_wait3A_819 = tpu.memref_slice %arg4[%dma_wait3A_818, %mul3A_2] : memref<64x16384xf32, #tpu.memory_space<hbm>> -> memref<64x256xf32, #tpu.memory_space<hbm>>
          tpu.wait_dma2 semaphore(%run_scoped3A : memref<!tpu.dma_semaphore, #tpu.memory_space<semaphore_mem>>) src(%arg7 : memref<64x256xf32, #tpu.memory_space<vmem>>) dst(%dma_wait3A_819 : memref<64x256xf32, #tpu.memory_space<hbm>>)
          tpu.yield
        }) : () -> ()
      } else {
      }
      %dma_wait3A_740 = arith.constant 7 : i32
      %dma_wait3A_741 = arith.constant 0 : i32
      %dma_wait3A_742 = arith.constant 0 : i32
      %dma_wait3A_743 = tpu.memref_slice %arg6[%dma_wait3A_740, %dma_wait3A_741, %dma_wait3A_742] : memref<8x64x128xf32, #tpu.memory_space<vmem>> -> memref<1x64x128xf32, #tpu.memory_space<vmem>>
      %dma_wait3A_744 = tpu.memref_squeeze %dma_wait3A_743 : memref<1x64x128xf32, #tpu.memory_space<vmem>> -> memref<64x128xf32, #tpu.memory_space<vmem>>
      %dma_wait3A_745 = arith.constant 0 : i32
      %dma_wait3A_746 = arith.constant 0 : i32
      %dma_wait3A_747 = tpu.memref_slice %arg3[%dma_wait3A_745, %dma_wait3A_746] : memref<64x1000000xf32, #tpu.memory_space<hbm>> -> memref<64x128xf32, #tpu.memory_space<hbm>>
      %dma_wait3A_748 = arith.constant 0 : i32
      %dma_wait3A_749 = arith.constant 0 : i32
      %dma_wait3A_750 = tpu.memref_slice %arg6[%dma_wait3A_740, %dma_wait3A_748, %dma_wait3A_749] : memref<8x64x128xf32, #tpu.memory_space<vmem>> -> memref<1x64x128xf32, #tpu.memory_space<vmem>>
      %dma_wait3A_751 = tpu.memref_squeeze %dma_wait3A_750 : memref<1x64x128xf32, #tpu.memory_space<vmem>> -> memref<64x128xf32, #tpu.memory_space<vmem>>
      %dma_wait3A_752 = arith.constant 0 : i32
      %dma_wait3A_753 = arith.constant 0 : i32
      %dma_wait3A_754 = tpu.memref_slice %arg3[%dma_wait3A_752, %dma_wait3A_753] : memref<64x1000000xf32, #tpu.memory_space<hbm>> -> memref<64x128xf32, #tpu.memory_space<hbm>>
      tpu.wait_dma2 semaphore(%arg15 : memref<!tpu.dma_semaphore, #tpu.memory_space<semaphore_mem>>) src(%dma_wait3A_754 : memref<64x128xf32, #tpu.memory_space<hbm>>) dst(%dma_wait3A_751 : memref<64x128xf32, #tpu.memory_space<vmem>>)
      %get3A_755 = arith.index_cast %add3A_734 : i32 to index
      %get3A_756 = tpu.vector_load %arg5[%get3A_755] {strides = array<i32>} : memref<528xi32, #tpu.memory_space<vmem>>, vector<16xi32>,
      %slice3A_757 = vector.extract_strided_slice %get3A_756 {offsets = [0], sizes = [1], strides = [1]} : vector<16xi32> to vector<1xi32>
      %squeeze3A_758 = vector.extract %slice3A_757[0] : i32 from vector<1xi32>
      %rem3A_759 = arith.constant 128 : i32
      %rem3A_760 = arith.remsi %squeeze3A_758, %rem3A_759 : i32
      %broadcast_in_dim3A_761 = vector.broadcast %rem3A_760 : i32 to vector<16xi32>
      %rem3A_762 = arith.constant 256 : i32
      %rem3A_763 = arith.remsi %add3A_734, %rem3A_762 : i32
      %broadcast_in_dim3A_764 = vector.broadcast %rem3A_763 : i32 to vector<16xi32>
      %iota3A_765 = tpu.iota {dimensions = array<i32: 0>} : vector<16xi32>
      %add3A_766 = arith.constant 0 : i32
      %add3A_767 = vector.broadcast %add3A_766 : i32 to vector<16xi32>
      %add3A_768 = arith.addi %iota3A_765, %add3A_767 : vector<16xi32>
      %gather3A_769 = arith.constant 7 : i32
      %gather3A_770 = arith.constant 0 : i32
      %gather3A_771 = arith.constant 0 : i32
      %gather3A_772 = tpu.memref_slice %arg6[%gather3A_769, %gather3A_770, %gather3A_771] : memref<8x64x128xf32, #tpu.memory_space<vmem>> -> memref<1x64x128xf32, #tpu.memory_space<vmem>>
      %gather3A_773 = tpu.memref_squeeze %gather3A_772 : memref<1x64x128xf32, #tpu.memory_space<vmem>> -> memref<64x128xf32, #tpu.memory_space<vmem>>
      %gather3A_774 = tpu.vector_load_idx %gather3A_773[%add3A_768, %broadcast_in_dim3A_761] : memref<64x128xf32, #tpu.memory_space<vmem>>[vector<16xi32>, vector<16xi32>], vector<16xf32>,
      tpu.vector_store_idx %arg7[%add3A_768, %broadcast_in_dim3A_764], %gather3A_774 : memref<64x256xf32, #tpu.memory_space<vmem>>[vector<16xi32>, vector<16xi32>], vector<16xf32>,
      %iota3A_775 = tpu.iota {dimensions = array<i32: 0>} : vector<16xi32>
      %add3A_776 = arith.constant 16 : i32
      %add3A_777 = vector.broadcast %add3A_776 : i32 to vector<16xi32>
      %add3A_778 = arith.addi %iota3A_775, %add3A_777 : vector<16xi32>
      %gather3A_779 = arith.constant 7 : i32
      %gather3A_780 = arith.constant 0 : i32
      %gather3A_781 = arith.constant 0 : i32
      %gather3A_782 = tpu.memref_slice %arg6[%gather3A_779, %gather3A_780, %gather3A_781] : memref<8x64x128xf32, #tpu.memory_space<vmem>> -> memref<1x64x128xf32, #tpu.memory_space<vmem>>
      %gather3A_783 = tpu.memref_squeeze %gather3A_782 : memref<1x64x128xf32, #tpu.memory_space<vmem>> -> memref<64x128xf32, #tpu.memory_space<vmem>>
      %gather3A_784 = tpu.vector_load_idx %gather3A_783[%add3A_778, %broadcast_in_dim3A_761] : memref<64x128xf32, #tpu.memory_space<vmem>>[vector<16xi32>, vector<16xi32>], vector<16xf32>,
      tpu.vector_store_idx %arg7[%add3A_778, %broadcast_in_dim3A_764], %gather3A_784 : memref<64x256xf32, #tpu.memory_space<vmem>>[vector<16xi32>, vector<16xi32>], vector<16xf32>,
      %iota3A_785 = tpu.iota {dimensions = array<i32: 0>} : vector<16xi32>
      %add3A_786 = arith.constant 32 : i32
      %add3A_787 = vector.broadcast %add3A_786 : i32 to vector<16xi32>
      %add3A_788 = arith.addi %iota3A_785, %add3A_787 : vector<16xi32>
      %gather3A_789 = arith.constant 7 : i32
      %gather3A_790 = arith.constant 0 : i32
      %gather3A_791 = arith.constant 0 : i32
      %gather3A_792 = tpu.memref_slice %arg6[%gather3A_789, %gather3A_790, %gather3A_791] : memref<8x64x128xf32, #tpu.memory_space<vmem>> -> memref<1x64x128xf32, #tpu.memory_space<vmem>>
      %gather3A_793 = tpu.memref_squeeze %gather3A_792 : memref<1x64x128xf32, #tpu.memory_space<vmem>> -> memref<64x128xf32, #tpu.memory_space<vmem>>
      %gather3A_794 = tpu.vector_load_idx %gather3A_793[%add3A_788, %broadcast_in_dim3A_761] : memref<64x128xf32, #tpu.memory_space<vmem>>[vector<16xi32>, vector<16xi32>], vector<16xf32>,
      tpu.vector_store_idx %arg7[%add3A_788, %broadcast_in_dim3A_764], %gather3A_794 : memref<64x256xf32, #tpu.memory_space<vmem>>[vector<16xi32>, vector<16xi32>], vector<16xf32>,
      %iota3A_795 = tpu.iota {dimensions = array<i32: 0>} : vector<16xi32>
      %add3A_796 = arith.constant 48 : i32
      %add3A_797 = vector.broadcast %add3A_796 : i32 to vector<16xi32>
      %add3A_798 = arith.addi %iota3A_795, %add3A_797 : vector<16xi32>
      %gather3A_799 = arith.constant 7 : i32
      %gather3A_800 = arith.constant 0 : i32
      %gather3A_801 = arith.constant 0 : i32
      %gather3A_802 = tpu.memref_slice %arg6[%gather3A_799, %gather3A_800, %gather3A_801] : memref<8x64x128xf32, #tpu.memory_space<vmem>> -> memref<1x64x128xf32, #tpu.memory_space<vmem>>
      %gather3A_803 = tpu.memref_squeeze %gather3A_802 : memref<1x64x128xf32, #tpu.memory_space<vmem>> -> memref<64x128xf32, #tpu.memory_space<vmem>>
      %gather3A_804 = tpu.vector_load_idx %gather3A_803[%add3A_798, %broadcast_in_dim3A_761] : memref<64x128xf32, #tpu.memory_space<vmem>>[vector<16xi32>, vector<16xi32>], vector<16xf32>,
      tpu.vector_store_idx %arg7[%add3A_798, %broadcast_in_dim3A_764], %gather3A_804 : memref<64x256xf32, #tpu.memory_space<vmem>>[vector<16xi32>, vector<16xi32>], vector<16xf32>,
      %add3A_805 = arith.constant 8 : i32
      %add3A_806 = arith.addi %add3A_734, %add3A_805 : i32
      %lt3A_807 = arith.constant 512 : i32
      %lt3A_808 = arith.cmpi slt, %add3A_806, %lt3A_807 : i32
      %convert_element_type3A_809 = arith.extui %lt3A_808 : i1 to i32
      %cond3A_810 = arith.constant 0 : i32
      %cond3A_811 = arith.cmpi ne, %convert_element_type3A_809, %cond3A_810 : i32
      scf.if %cond3A_811 {
        %add3A_812 = arith.constant 8 : i32
        %add3A_813 = arith.addi %add3A_734, %add3A_812 : i32
        %get3A_814 = arith.index_cast %add3A_813 : i32 to index
        %get3A_815 = tpu.vector_load %arg5[%get3A_814] {strides = array<i32>} : memref<528xi32, #tpu.memory_space<vmem>>, vector<16xi32>,
        %slice3A_816 = vector.extract_strided_slice %get3A_815 {offsets = [0], sizes = [1], strides = [1]} : vector<16xi32> to vector<1xi32>
        %squeeze3A_817 = vector.extract %slice3A_816[0] : i32 from vector<1xi32>
        %rem3A_818 = arith.constant 128 : i32
        %rem3A_819 = arith.remsi %squeeze3A_817, %rem3A_818 : i32
        %sub3A_820 = arith.subi %squeeze3A_817, %rem3A_819 : i32
        %multiple_of3A_821 = tpu.assume_multiple %sub3A_820, 128 : i32
        %dma_start3A_822 = arith.constant 7 : i32
        %dma_start3A_823 = arith.constant 0 : i32
        %dma_start3A_824 = arith.constant 0 : i32
        %dma_start3A_825 = tpu.memref_slice %arg6[%dma_start3A_822, %dma_start3A_823, %dma_start3A_824] : memref<8x64x128xf32, #tpu.memory_space<vmem>> -> memref<1x64x128xf32, #tpu.memory_space<vmem>>
        %dma_start3A_826 = tpu.memref_squeeze %dma_start3A_825 : memref<1x64x128xf32, #tpu.memory_space<vmem>> -> memref<64x128xf32, #tpu.memory_space<vmem>>
        %dma_start3A_827 = arith.constant 0 : i32
        %dma_start3A_828 = tpu.memref_slice %arg3[%dma_start3A_827, %multiple_of3A_821] : memref<64x1000000xf32, #tpu.memory_space<hbm>> -> memref<64x128xf32, #tpu.memory_space<hbm>>
        %dma_start3A_829 = arith.constant 0 : i32
        %dma_start3A_830 = arith.constant 0 : i32
        %dma_start3A_831 = tpu.memref_slice %arg6[%dma_start3A_822, %dma_start3A_829, %dma_start3A_830] : memref<8x64x128xf32, #tpu.memory_space<vmem>> -> memref<1x64x128xf32, #tpu.memory_space<vmem>>
        %dma_start3A_832 = tpu.memref_squeeze %dma_start3A_831 : memref<1x64x128xf32, #tpu.memory_space<vmem>> -> memref<64x128xf32, #tpu.memory_space<vmem>>
        %dma_start3A_833 = arith.constant 0 : i32
        %dma_start3A_834 = tpu.memref_slice %arg3[%dma_start3A_833, %multiple_of3A_821] : memref<64x1000000xf32, #tpu.memory_space<hbm>> -> memref<64x128xf32, #tpu.memory_space<hbm>>
        tpu.enqueue_dma source(%dma_start3A_834 : memref<64x128xf32, #tpu.memory_space<hbm>>) target(%dma_start3A_832 : memref<64x128xf32, #tpu.memory_space<vmem>>) target_semaphore(%arg15 : memref<!tpu.dma_semaphore, #tpu.memory_space<semaphore_mem>>)
      } else {
      }
    }
    %scan3A_168 = arith.constant 64 : i32
    %add3A_169 = arith.constant 256 : i32
    %add3A_170 = arith.addi %mul3A_2, %add3A_169 : i32
    "tpu.region"() ({
      %run_scoped3A = tpu.sem_alloc : memref<!tpu.dma_semaphore, #tpu.memory_space<semaphore_mem>>
      %dma_start3A_171 = arith.constant 0 : i32
      %dma_start3A_172 = tpu.memref_slice %arg4[%dma_start3A_171, %add3A_170] : memref<64x16384xf32, #tpu.memory_space<hbm>> -> memref<64x256xf32, #tpu.memory_space<hbm>>
      %dma_start3A_173 = arith.constant 0 : i32
      %dma_start3A_174 = tpu.memref_slice %arg4[%dma_start3A_173, %add3A_170] : memref<64x16384xf32, #tpu.memory_space<hbm>> -> memref<64x256xf32, #tpu.memory_space<hbm>>
      tpu.enqueue_dma source(%arg7 : memref<64x256xf32, #tpu.memory_space<vmem>>) target(%dma_start3A_174 : memref<64x256xf32, #tpu.memory_space<hbm>>) target_semaphore(%run_scoped3A : memref<!tpu.dma_semaphore, #tpu.memory_space<semaphore_mem>>)
      %dma_wait3A = arith.constant 0 : i32
      %dma_wait3A_175 = tpu.memref_slice %arg4[%dma_wait3A, %add3A_170] : memref<64x16384xf32, #tpu.memory_space<hbm>> -> memref<64x256xf32, #tpu.memory_space<hbm>>
      %dma_wait3A_176 = arith.constant 0 : i32
      %dma_wait3A_177 = tpu.memref_slice %arg4[%dma_wait3A_176, %add3A_170] : memref<64x16384xf32, #tpu.memory_space<hbm>> -> memref<64x256xf32, #tpu.memory_space<hbm>>
      tpu.wait_dma2 semaphore(%run_scoped3A : memref<!tpu.dma_semaphore, #tpu.memory_space<semaphore_mem>>) src(%arg7 : memref<64x256xf32, #tpu.memory_space<vmem>>) dst(%dma_wait3A_177 : memref<64x256xf32, #tpu.memory_space<hbm>>)
      tpu.yield
    }) : () -> ()
    return
  }
}

</mosaic_0001>

<sc_bundles>
// kernel: kernel.3.cloned.1.call-start
scs
__scs_entry_jumppad:
0x0: {  	(pc) =	sbr.rel $0x88, $3  }
0x1: {  	(tag) =	ssettag $0x0;
	lr =	simm.s32 $0x1  }
0x2: {  	[smem:$0x3F9F] =	sst lr;
	_ =	strace $0xD0000000  }
0x3: {  	_ = 	snop  }
0x4: {  	_ = 	snop  }
0x5: {  	_ = 	snop  }
0x6: {  	_ = 	snop  }
0x7: {  	_ = 	snop  }
__scs_overlays_trampoline_lowered:
0x8: {  	[smem:$0x3FAE] =	sst s0  }
0x9: {  	[smem:$0x3FAF] =	sst s1  }
0xa: {  	[smem:$0x3FB0] =	sst s2  }
0xb: {  	[smem:$0x3FB1] =	sst s3  }
0xc: {  	[smem:$0x3FB2] =	sst s4  }
0xd: {  	[smem:$0x3FB3] =	sst s5  }
0xe: {  	[smem:$0x3FB4] =	sst s6  }
0xf: {  	[smem:$0x3FB5] =	sst s7  }
0x10: {  	[smem:$0x3FB6] =	sst s8  }
0x11: {  	[smem:$0x3FB7] =	sst s9;
	s0 =	simm.s32 @!p0 $0x0  }
0x12: {  	s1 =	sld [smem:$0x3F9D];
	s0 =	simm.s32 @p0 $0x1  }
0x13: {  	[smem:$0x3FB8] =	sst s0;
	s0 =	simm.s32 @!p1 $0x0  }
0x14: {  	s2 =	sld [smem:$0x3F9C];
	s0 =	simm.s32 @p1 $0x1  }
0x15: {  	[smem:$0x3FB9] =	sst s0;
	s0 =	simm.s32 @!p2 $0x0  }
0x16: {  	s3 =	sld [smem:$0x3FDB];
	s0 =	simm.s32 @p2 $0x1  }
0x17: {  	s4 =	simm.s32 $0x1BF5;
	[smem:$0x3FBB] =	sst s0  }
0x18: {  	s0 =	sld [smem:$0x3F9E];
	_ =	swait.ge [sflag:s4], $0x0  }
0x19: {  	s7 =	sld [smem:$0x3F9F]  }
0x1a: {  	s8 =	sadd.s32 $0xFFFFE003, lr  }
0x1b: {  	s9 =	sadd.s32 $0xFFFFFEF7, lr;
	s5 =	simm.s32 $0xFFFFFFFF;
	p2 =	slt.u32 s8, $0xFFFFF086  }
0x1c: {  	p1 =	slt.u32 s9, $0xF7A;
	s5 =	simm.s32 @!p2 $0x0  }
0x1d: {  	s5 =	simm.s32 @p1 $0x1;
	p0 =	seq.s32 s7, s2  }
0x1e: {  	s7 =	smul.u32 @!p0 $0xF7A, s2;
	p2 =	seq.s32 @!p0 s5, $0x0  }
0x1f: {  	s9 =	smul.u32 $0xF7A, s1;
	s8 =	simm.s32 @!p0 $0x1BF5;
	p2 =	por !p2, p0  }
0x20: {  	[sflag:s8] =	ssyncset.s32 @!p0 $0xFFFFF086;
	s6 =	sadd.s32 @!p0 s3, s7;
	s7 =	simm.s32 @!p0 $0x108  }
0x21: {  	s3 =	sadd.s32 s3, s9;
	s6 =	sadd.s32 @!p0 $0x88, s6;
	s7 =	simm.s32 @p2 $0x1082  }
0x22: {  	[simem:s7], [sflag:s8] =	dma.local @!p0 [hbm:s6], $0xF7A  }
0x23: {  	s9 =	sor.u32 $0xD0000000, s2;
	s6 =	simm.s32 $0x108;
	_ =	swait.ge @!p0 [sflag:s8], $0x0  }
0x24: {  	s3 =	sadd.s32 $0x88, s3;
	s6 =	simm.s32 @!p1 $0x1082;
	[sflag:s4] =	ssyncset.s32 $0xFFFFF086  }
0x25: {  	[simem:s6], [sflag:s4] =	dma.local [hbm:s3], $0xF7A  }
0x26: {  	[smem:$0x3F9F] =	sst s1;
	(tag) =	ssettag s2;
	_ =	strace s9  }
0x27: {  	s1 =	sld [smem:$0x3FAF]  }
0x28: {  	s2 =	sld [smem:$0x3FB0]  }
0x29: {  	s4 =	sld [smem:$0x3FB2]  }
0x2a: {  	p0 =	seq.s32 s5, $0x0;
	s5 =	sld [smem:$0x3FB3]  }
0x2b: {  	s6 =	sld [smem:$0x3FB4]  }
0x2c: {  	s7 =	sld [smem:$0x3FB5]  }
0x2d: {  	s3 =	simm.s32 $0x108;
	s8 =	sld [smem:$0x3FB6]  }
0x2e: {  	s3 =	simm.s32 @!p0 $0x1082;
	s9 =	sld [smem:$0x3FB7]  }
0x2f: {  	lr =	sadd.s32 s0, s3;
	s0 =	sld [smem:$0x3FAE]  }
0x30: {  	s3 =	sld [smem:$0x3FB1]  }
0x31: {  	[smem:$0x3FBA] =	sst s10  }
0x32: {  	s10 =	sld [smem:$0x3FB8];
	_ =	sdelay $0x3  }
0x33: {  	p0 =	seq.s32 s10, $0x1;
	s10 =	sld [smem:$0x3FBA];
	_ =	sdelay $0x3  }
0x34: {  	[smem:$0x3FBA] =	sst s10  }
0x35: {  	s10 =	sld [smem:$0x3FB9];
	_ =	sdelay $0x3  }
0x36: {  	p1 =	seq.s32 s10, $0x1;
	s10 =	sld [smem:$0x3FBA];
	_ =	sdelay $0x3  }
0x37: {  	[smem:$0x3FBA] =	sst s10  }
0x38: {  	s10 =	sld [smem:$0x3FBB]  }
0x39: {  	_ = 	snop;
	(pc) =	sbr.ind lr, $3  }
0x3a: {  	_ = 	snop  }
0x3b: {  	_ = 	snop  }
0x3c: {  	p2 =	seq.s32 s10, $0x1;
	s10 =	sld [smem:$0x3FBA]  }
0x3d: {  	_ =	shalt  }
0x3e: {  	_ =	shalt  }
0x3f: {  	_ =	shalt  }
0x40: {  	_ =	shalt  }
0x41: {  	_ =	shalt  }
0x42: {  	_ =	shalt  }
0x43: {  	_ =	shalt  }
0x44: {  	_ =	shalt  }
0x45: {  	_ =	shalt  }
0x46: {  	_ =	shalt  }
0x47: {  	_ =	shalt  }
0x48: {  	_ =	shalt  }
0x49: {  	_ =	shalt  }
0x4a: {  	_ =	shalt  }
0x4b: {  	_ =	shalt  }
0x4c: {  	_ =	shalt  }
0x4d: {  	_ =	shalt  }
0x4e: {  	_ =	shalt  }
0x4f: {  	_ =	shalt  }
0x50: {  	_ =	shalt  }
0x51: {  	_ =	shalt  }
0x52: {  	_ =	shalt  }
0x53: {  	_ =	shalt  }
0x54: {  	_ =	shalt  }
0x55: {  	_ =	shalt  }
0x56: {  	_ =	shalt  }
0x57: {  	_ =	shalt  }
0x58: {  	_ =	shalt  }
0x59: {  	_ =	shalt  }
0x5a: {  	_ =	shalt  }
0x5b: {  	_ =	shalt  }
0x5c: {  	_ =	shalt  }
0x5d: {  	_ =	shalt  }
0x5e: {  	_ =	shalt  }
0x5f: {  	_ =	shalt  }
0x60: {  	_ =	shalt  }
0x61: {  	_ =	shalt  }
0x62: {  	_ =	shalt  }
0x63: {  	_ =	shalt  }
0x64: {  	_ =	shalt  }
0x65: {  	_ =	shalt  }
0x66: {  	_ =	shalt  }
0x67: {  	_ =	shalt  }
0x68: {  	_ =	shalt  }
0x69: {  	_ =	shalt  }
0x6a: {  	_ =	shalt  }
0x6b: {  	_ =	shalt  }
0x6c: {  	_ =	shalt  }
0x6d: {  	_ =	shalt  }
0x6e: {  	_ =	shalt  }
0x6f: {  	_ =	shalt  }
0x70: {  	_ =	shalt  }
0x71: {  	_ =	shalt  }
0x72: {  	_ =	shalt  }
0x73: {  	_ =	shalt  }
0x74: {  	_ =	shalt  }
0x75: {  	_ =	shalt  }
0x76: {  	_ =	shalt  }
0x77: {  	_ =	shalt  }
0x78: {  	_ =	shalt  }
0x79: {  	_ =	shalt  }
0x7a: {  	_ =	shalt  }
0x7b: {  	_ =	shalt  }
0x7c: {  	_ =	shalt  }
0x7d: {  	_ =	shalt  }
0x7e: {  	_ =	shalt  }
0x7f: {  	_ =	shalt  }
0x80: {  	_ =	shalt  }
0x81: {  	_ =	shalt  }
0x82: {  	_ =	shalt  }
0x83: {  	_ =	shalt  }
0x84: {  	_ =	shalt  }
0x85: {  	_ =	shalt  }
0x86: {  	_ =	shalt  }
0x87: {  	_ =	shalt  }
.Lfunc_end0:
.L_simem_size_0:
called_computation_lowered:
.L_overlay_start_0:
0x88: {  	s2 =	sld [smem:$0x3FD9]  }
0x89: {  	s3 =	sld [smem:$0x3FFE];
	_ =	sdelay $0x1  }
0x8a: {  	s1 =	srdreg.scid  }
0x8b: {  	s0 =	sand.u32 $0x1, s1  }
0x8c: {  	s18 =	sshll.u32 s0, $0xA;
	s2 =	sadd.s32 s3, s2  }
0x8d: {  	s2 =	sadd.s32 s2, s18  }
0x8e: {  	[smem:$0x3FC6] =	sst s2  }
0x8f: {  	_ = 	snop  }
0x90: {  	s2 =	sld [smem:$0x3FC9]  }
0x91: {  	s19 =	sld [smem:$0x3FC8]  }
0x92: {  	s4 =	sld [smem:$0x3FD0];
	(tm) =	ssettm $0x1  }
0x93: {  	s5 =	sld [smem:$0x3FFB];
	_ =	sdelay $0x3  }
0x94: {  	_ =	strace s5  }
0x95: {  	s5 =	sld [smem:$0x3FFC];
	_ =	sdelay $0x3  }
0x96: {  	_ =	strace s5  }
0x97: {  	s5 =	sld [smem:$0x3FFD];
	_ =	sdelay $0x3  }
0x98: {  	_ =	strace s5  }
0x99: {  	_ =	strace $0x8FFFFFFF  }
0x9a: {  	s20 =	sld [smem:$0x3FDB];
	_ =	sdelay $0x1  }
0x9b: {  	s6 =	simm.s32 $_scs_section_size  }
0x9c: {  	s7 =	simm.s32 $_size__tile_overlayer_lowered;
	s8 =	simm.s32 $_tile_overlayer_lowered  }
0x9d: {  	s23 =	simm.s32 $0x1BFF;
	s22 =	sshll.u32 s8, $0x1;
	s5 =	sadd.s32 s6, s20  }
0x9e: {  	s9 =	simm.s32 $0x0;
	s21 =	sshll.u32 s7, $0x1;
	s7 =	sadd.s32 s22, s5  }
0x9f: {  	[timem:s9], [sflag:s23] =	dma.local [hbm:s7], s21  }
0xa0: {  	_ =	swait.ge [sflag:s23], s21  }
0xa1: {  	s6 =	ssub.s32 $0x0, s21;
	[sflag:s23] =	ssyncset.done $0x0  }
0xa2: {  	[sflag:s23] =	ssyncadd.s32 s6;
	_ =	sdelay $0x1  }
0xa3: {  	s24 =	simm.s32 $0x1B8B  }
0xa4: {  	_ =	swait.ge [sflag:s24], $0x1  }
0xa5: {  	[sflag:s24] =	ssyncset.done $0x0  }
0xa6: {  	s25 =	simm.s32 $0x1B8E;
	[sflag:s24] =	ssyncadd.s32 $0xFFFFFFFF  }
0xa7: {  	s26 =	simm.s32 $execute0_lowered;
	[smem:$0x3FD2] =	sst s25  }
0xa8: {  	s6 =	sshll.u32 s26, $0x1;
	_ =	strace $0x80000046;
	[dreg:$0x1] =	wrdreg $0xFFFFFFFF  }
0xa9: {  	s28 =	simm.s32 $_size_execute0_lowered;
	s5 =	sadd.s32 s5, s6;
	[dreg:$0x0] =	wrdreg $0x0  }
0xaa: {  	s6 =	sshll.u32 s28, $0x1;
	[dreg:$0x2] =	wrdreg s5  }
0xab: {  	[dreg:$0x3] =	wrdreg s6  }
0xac: {  	[dreg:$0x4] =	wrdreg $0xC0  }
0xad: {  	_ =	task [dreg:s9], $0x5FFFF  }
0xae: {  	[dreg:$0x1] =	wrdreg $0xFFFFFFFF  }
0xaf: {  	[dreg:$0x0] =	wrdreg $0x60  }
0xb0: {  	[dreg:$0x2] =	wrdreg s2  }
0xb1: {  	[dreg:$0x3] =	wrdreg s19  }
0xb2: {  	[dreg:$0x4] =	wrdreg s4  }
0xb3: {  	[dreg:$0x5] =	wrdreg $0x9  }
0xb4: {  	_ =	task.clear_ibuf [dreg:s9], $0x6FFFF;
	_ =	strace $0x90000046  }
0xb5: {  	s29 =	simm.s32 $0x9;
	_ =	strace $0x80000048  }
0xb6: {  	_ =	swait.ge [sflag:s29], $0x1  }
0xb7: {  	[sflag:s29] =	ssyncadd.s32 $0xFFFFFFFF  }
0xb8: {  	_ =	strace $0x90000048  }
0xb9: {  	_ =	sfence  }
0xba: {  	s30 =	sld [smem:$0x0];
	_ =	sdelay $0x2  }
0xbb: {  	s31 =	sshll.u32 s1, $0xD;
	s1 =	sshrl.u32 s1, $0x2  }
0xbc: {  	s3 =	sand.u32 $0x4000, s31;
	s1 =	sadd.s32 s1, s30  }
0xbd: {  	s0 =	sor.u32 s3, s0;
	s1 =	sshll.u32 s1, $0x11  }
0xbe: {  	s0 =	sor.u32 s1, s0  }
0xbf: {  	s0 =	sadd.s32 $0x8F2B, s0  }
0xc0: {  	[sflag:s0] =	ssyncadd.remote.s32 $0x1  }
0xc1: {  	_ =	sfence.sel $0xFFFF  }
0xc2: {  	[dreg:$0x0] =	wrdreg $0xFFFFFFFF;
	(pc) =	sbr.abs _section_cstart, $3  }
0xc3: {  	[dreg:$0x1] =	wrdreg $0xFFFFFFFF  }
0xc4: {  	_ =	task.clear_ibuf [dreg:s9], $0x2FFFF;
	_ =	strace $0x9FFFFFFF  }
0xc5: {  	(tm) =	ssettm $0x7FFFFFFF  }
tec
execute0_lowered:
.L_overlay_start_1:
0x0: {  	(tag) =	ssettag $0x1  }
0x1: {  	v0 =	vimm.s32 $0xB80;
	vm14 =	vcmask $0x300;
	vm13 =	vcmask $0x704  }
0x2: {  	vm12 =	vcmask $0xB08;
	vm11 =	vcmask $0xF0C;
	vm10 =	vcmask $0x1310  }
0x3: {  	vm9 =	vcmask $0x1714;
	vm8 =	vcmask $0x1B18;
	vm7 =	vcmask $0x1F1C  }
0x4: {  	vm6 =	vcmask $0x2320;
	vm5 =	vcmask $0x2724;
	vm4 =	vcmask $0x2B28  }
0x5: {  	vm3 =	vcmask $0x2F2C;
	v1 =	vlaneseq.u32;
	vm2 =	vcmask $0x3330  }
0x6: {  	vm1 =	vcmask $0x3734;
	vm0 =	vcmask $0x3B38;
	v3 =	vimm.s32 $0x1B80  }
0x7: {  	v4 =	vimm.s32 $0x2B80;
	v5 =	vimm.s32 $0x3B80;
	v0 =	vsel vm14, $0x0, v0  }
0x8: {  	v3 =	vsel vm14, $0x1000, v3;
	v4 =	vsel vm14, $0x2000, v4;
	v5 =	vsel vm14, $0x3000, v5  }
0x9: {  	v0 =	vsel vm13, $0x80, v0;
	v3 =	vsel vm13, $0x1080, v3;
	v4 =	vsel vm13, $0x2080, v4  }
0xa: {  	v5 =	vsel vm13, $0x3080, v5;
	v0 =	vsel vm12, $0x100, v0;
	v3 =	vsel vm12, $0x1100, v3  }
0xb: {  	v4 =	vsel vm12, $0x2100, v4;
	v5 =	vsel vm12, $0x3100, v5;
	v0 =	vsel vm11, $0x180, v0  }
0xc: {  	v3 =	vsel vm11, $0x1180, v3;
	v4 =	vsel vm11, $0x2180, v4;
	v5 =	vsel vm11, $0x3180, v5  }
0xd: {  	s1 =	rddreg [dreg:$0x0];
	v0 =	vsel vm10, $0x200, v0;
	v3 =	vsel vm10, $0x1200, v3;
	v4 =	vsel vm10, $0x2200, v4  }
0xe: {  	s0 =	rddreg [dreg:$0x1];
	v5 =	vsel vm10, $0x3200, v5;
	v0 =	vsel vm9, $0x280, v0;
	v3 =	vsel vm9, $0x1280, v3  }
0xf: {  	s2 =	rddreg [dreg:$0x2];
	s3 =	srdreg.scid;
	s5 =	simm.s32 $0x0;
	v4 =	vsel vm9, $0x2280, v4;
	v5 =	vsel vm9, $0x3280, v5;
	v0 =	vsel vm8, $0x300, v0  }
0x10: {  	s4 =	stileid.u32;
	s8 =	simm.s32 $0x9;
	s9 =	simm.s32 $0x7A1400;
	v3 =	vsel vm8, $0x1300, v3;
	v4 =	vsel vm8, $0x2300, v4;
	v5 =	vsel vm8, $0x3300, v5  }
0x11: {  	s10 =	simm.s32 $0x400;
	s11 =	simm.s32 $0x280;
	s12 =	simm.s32 $0x2280;
	v0 =	vsel vm7, $0x380, v0;
	v3 =	vsel vm7, $0x1380, v3;
	v4 =	vsel vm7, $0x2380, v4  }
0x12: {  	s13 =	simm.s32 $0x4280;
	s14 =	simm.s32 $0x6280;
	s15 =	simm.s32 $0x8280;
	v5 =	vsel vm7, $0x3380, v5;
	v0 =	vsel vm6, $0x800, v0;
	v3 =	vsel vm6, $0x1800, v3  }
0x13: {  	s16 =	simm.s32 $0xA280;
	s17 =	simm.s32 $0xC280;
	s18 =	simm.s32 $0xE280;
	v4 =	vsel vm6, $0x2800, v4;
	v5 =	vsel vm6, $0x3800, v5;
	v0 =	vsel vm5, $0x880, v0  }
0x14: {  	s19 =	simm.s32 $0x1;
	s20 =	simm.s32 $0x10280;
	s21 =	simm.s32 $0x2;
	v3 =	vsel vm5, $0x1880, v3;
	v4 =	vsel vm5, $0x2880, v4;
	v5 =	vsel vm5, $0x3880, v5  }
0x15: {  	s22 =	simm.s32 $0x3;
	s23 =	simm.s32 $0x4;
	s24 =	simm.s32 $0x5;
	v0 =	vsel vm4, $0x900, v0;
	v3 =	vsel vm4, $0x1900, v3;
	v4 =	vsel vm4, $0x2900, v4  }
0x16: {  	s28 =	simm.s32 $0x8;
	s31 =	simm.s32 $0x0;
	s3 =	sand.u32 $0x1, s3;
	v5 =	vsel vm4, $0x3900, v5;
	v2 =	vsel vm3, $0x980, v0;
	v0 =	vmul.u32 $0x80, v1  }
0x17: {  	[smem:$0x7FF] =	sst s5;
	s4 =	sshll.u32 s4, $0xA;
	s25 =	sshll.u32 s3, $0x9;
	v3 =	vsel vm3, $0x1980, v3;
	v4 =	vsel vm3, $0x2980, v4;
	v5 =	vsel vm3, $0x3980, v5  }
.Ltmp0:
0x18: {  	s3 =	ssub.s32 $0x2, s3;
	s4 =	sor.u32 s25, s4;
	v1 =	vsel vm2, $0xA00, v2;
	v3 =	vsel vm2, $0x1A00, v3;
	v6 =	vsel vm2, $0x2A00, v4;
	(pc) =	sbr.rel .LBB2_1-.Ltmp0, $4  }
0x19: {  	_ =	strace $0x80000047;
	s26 =	sshrl.u32 s3, $0x1;
	s6 =	sshrl.u32 s4, $0x3;
	v5 =	vsel vm2, $0x3A00, v5;
	v1 =	vsel vm1, $0xA80, v1;
	v2 =	vor.u32 $0x800, v0  }
0x1a: {  	s25 =	simm.s32 $0x6;
	s4 =	sadd.s32 s2, s4;
	s1 =	sadd.s32 s1, s6;
	v3 =	vsel vm1, $0x1A80, v3;
	v4 =	vor.u32 $0x1000, v0;
	v6 =	vsel vm1, $0x2A80, v6  }
0x1b: {  	s29 =	ssub.s32 s3, s26;
	s30 =	sadd.s32 $0x100, s4;
	[dreg:$0x4] =	wrdreg s1;
	v7 =	vsel vm1, $0x3A80, v5;
	v1 =	vsel vm0, $0xB00, v1;
	v3 =	vsel vm0, $0x1B00, v3  }
0x1c: {  	s26 =	simm.s32 $0x7;
	s7 =	smax.u32 s29, $0x1;
	[dreg:$0x5] =	wrdreg s30;
	v5 =	vsel vm0, $0x2B00, v6;
	v6 =	vor.u32 $0x1800, v0;
	v7 =	vsel vm0, $0x3B00, v7  }
.LBB2_4:
0x1d: {  	s31 =	sadd.s32 $0x1, s31  }
0x1e: {  	s1 =	rddreg [dreg:$0x5];
	p0 =	sne.s32 s31, s7  }
.Ltmp1:
0x1f: {  	s2 =	simm.s32 $0x800;
	s3 =	simm.s32 $0x20000;
	(pc) =	sbr.rel @!p0 .LBB2_5-.Ltmp1, $4  }
0x20: {  	[hbm4b:s1+s2] =	stream.strided.scatter [tilespmem:s20], [sflag:$0x9], $0x4000, s3, s2, $0x38;
	[tilespmem:$0x14280] =	vst v63  }
0x21: {  	_ =	swait.ge [sflag:s8], $0x4000  }
0x22: {  	[sflag:s8] =	ssyncset.done $0x0  }
0x23: {  	[sflag:s8] =	ssyncadd.s32 $0xFFFFC000  }
.LBB2_1:
0x24: {  	s1 =	simm.s32 $0x0;
	s2 =	rddreg [dreg:$0x4]  }
0x25: {  	[tilespmem:s1], [sflag:$0x9] =	stream.linear.gather [hbm4b:s2+s1], $0x200, $0x38;
	[tilespmem:$0x14280] =	vst v63  }
0x26: {  	_ =	swait.ge [sflag:s8], $0x200  }
0x27: {  	[sflag:s8] =	ssyncset.done $0x0  }
0x28: {  	[sflag:s8] =	ssyncadd.s32 $0xFFFFFE00  }
0x29: {  	v8 =	vld [tilespmem:$0x0];
	_ =	sdelay $0x4  }
0x2a: {  	(v2sf) =	vpush v8, $0x0;
	_ =	sdelay $0xe  }
0x2b: {  	s30 =	spop (v2sf)  }
0x2c: {  	s3 =	sshra.s32 s30, $0x1F  }
0x2d: {  	s2 =	sshrl.u32 s3, $0x19  }
0x2e: {  	s1 =	sadd.s32 s2, s30  }
0x2f: {  	s1 =	sand.u32 $0xFFFFF80, s1  }
0x30: {  	s1 =	sadd.s32 s0, s1  }
0x31: {  	[tilespmem:s11], [sflag:$0x1] =	stream.strided.gather [hbm4b:s1+s10], $0x2000, s9, s10, $0x38;
	[tilespmem:$0x14280] =	vst v63  }
0x32: {  	v8 =	vld [tilespmem:$0x1];
	_ =	sdelay $0x4  }
0x33: {  	(v2sf) =	vpush v8, $0x0;
	_ =	sdelay $0xe  }
0x34: {  	s5 =	spop (v2sf)  }
0x35: {  	s6 =	sshra.s32 s5, $0x1F  }
0x36: {  	s2 =	sshrl.u32 s6, $0x19  }
0x37: {  	s1 =	sadd.s32 s2, s5  }
0x38: {  	s1 =	sand.u32 $0xFFFFF80, s1  }
0x39: {  	s1 =	sadd.s32 s0, s1  }
0x3a: {  	[tilespmem:s12], [sflag:$0x2] =	stream.strided.gather [hbm4b:s1+s10], $0x2000, s9, s10, $0x38;
	[tilespmem:$0x14280] =	vst v63  }
0x3b: {  	v8 =	vld [tilespmem:$0x2];
	_ =	sdelay $0x4  }
0x3c: {  	(v2sf) =	vpush v8, $0x0;
	_ =	sdelay $0xe  }
0x3d: {  	s29 =	spop (v2sf)  }
0x3e: {  	s30 =	sshra.s32 s29, $0x1F  }
0x3f: {  	s2 =	sshrl.u32 s30, $0x19  }
0x40: {  	s1 =	sadd.s32 s2, s29  }
0x41: {  	s1 =	sand.u32 $0xFFFFF80, s1  }
0x42: {  	s1 =	sadd.s32 s0, s1  }
0x43: {  	[tilespmem:s13], [sflag:$0x3] =	stream.strided.gather [hbm4b:s1+s10], $0x2000, s9, s10, $0x38;
	[tilespmem:$0x14280] =	vst v63  }
0x44: {  	v8 =	vld [tilespmem:$0x3];
	_ =	sdelay $0x4  }
0x45: {  	(v2sf) =	vpush v8, $0x0;
	_ =	sdelay $0xe  }
0x46: {  	s3 =	spop (v2sf)  }
0x47: {  	s5 =	sshra.s32 s3, $0x1F  }
0x48: {  	s2 =	sshrl.u32 s5, $0x19  }
0x49: {  	s1 =	sadd.s32 s2, s3  }
0x4a: {  	s1 =	sand.u32 $0xFFFFF80, s1  }
0x4b: {  	s1 =	sadd.s32 s0, s1  }
0x4c: {  	[tilespmem:s14], [sflag:$0x4] =	stream.strided.gather [hbm4b:s1+s10], $0x2000, s9, s10, $0x38;
	[tilespmem:$0x14280] =	vst v63  }
0x4d: {  	v8 =	vld [tilespmem:$0x4];
	_ =	sdelay $0x4  }
0x4e: {  	(v2sf) =	vpush v8, $0x0;
	_ =	sdelay $0xe  }
0x4f: {  	s6 =	spop (v2sf)  }
0x50: {  	s29 =	sshra.s32 s6, $0x1F  }
0x51: {  	s2 =	sshrl.u32 s29, $0x19  }
0x52: {  	s1 =	sadd.s32 s2, s6  }
0x53: {  	s1 =	sand.u32 $0xFFFFF80, s1  }
0x54: {  	s1 =	sadd.s32 s0, s1  }
0x55: {  	[tilespmem:s15], [sflag:$0x5] =	stream.strided.gather [hbm4b:s1+s10], $0x2000, s9, s10, $0x38;
	[tilespmem:$0x14280] =	vst v63  }
0x56: {  	v8 =	vld [tilespmem:$0x5];
	_ =	sdelay $0x4  }
0x57: {  	(v2sf) =	vpush v8, $0x0;
	_ =	sdelay $0xe  }
0x58: {  	s30 =	spop (v2sf)  }
0x59: {  	s3 =	sshra.s32 s30, $0x1F  }
0x5a: {  	s2 =	sshrl.u32 s3, $0x19  }
0x5b: {  	s1 =	sadd.s32 s2, s30  }
0x5c: {  	s1 =	sand.u32 $0xFFFFF80, s1  }
0x5d: {  	s1 =	sadd.s32 s0, s1  }
0x5e: {  	[tilespmem:s16], [sflag:$0x6] =	stream.strided.gather [hbm4b:s1+s10], $0x2000, s9, s10, $0x38;
	[tilespmem:$0x14280] =	vst v63  }
0x5f: {  	v8 =	vld [tilespmem:$0x6];
	_ =	sdelay $0x4  }
0x60: {  	(v2sf) =	vpush v8, $0x0;
	_ =	sdelay $0xe  }
0x61: {  	s5 =	spop (v2sf)  }
0x62: {  	s6 =	sshra.s32 s5, $0x1F  }
0x63: {  	s2 =	sshrl.u32 s6, $0x19  }
0x64: {  	s1 =	sadd.s32 s2, s5  }
0x65: {  	s1 =	sand.u32 $0xFFFFF80, s1  }
0x66: {  	s1 =	sadd.s32 s0, s1  }
0x67: {  	[tilespmem:s17], [sflag:$0x7] =	stream.strided.gather [hbm4b:s1+s10], $0x2000, s9, s10, $0x38;
	[tilespmem:$0x14280] =	vst v63  }
0x68: {  	v8 =	vld [tilespmem:$0x7];
	_ =	sdelay $0x4  }
0x69: {  	(v2sf) =	vpush v8, $0x0;
	_ =	sdelay $0xe  }
0x6a: {  	s29 =	spop (v2sf)  }
0x6b: {  	s30 =	sshra.s32 s29, $0x1F  }
0x6c: {  	s2 =	sshrl.u32 s30, $0x19  }
0x6d: {  	s1 =	sadd.s32 s2, s29  }
0x6e: {  	s1 =	sand.u32 $0xFFFFF80, s1  }
0x6f: {  	s1 =	sadd.s32 s0, s1  }
0x70: {  	[tilespmem:s18], [sflag:$0x8] =	stream.strided.gather [hbm4b:s1+s10], $0x2000, s9, s10, $0x38;
	[tilespmem:$0x14280] =	vst v63  }
0x71: {  	s2 =	simm.s32 $0x0;
	s1 =	simm.s32 $0x8  }
.LBB2_2:
0x72: {  	p0 =	sne.s32 s2, $0x100  }
0x73: {  	s3 =	simm.s32 @!p0 $0x800;
	s29 =	simm.s32 @!p0 $0x20000;
	s30 =	simm.s32 @!p0 $0x10280  }
0x74: {  	[hbm4b:s4+s3] =	stream.strided.scatter @!p0 [tilespmem:s30], [sflag:$0x9], $0x4000, s29, s3, $0x38;
	[tilespmem:$0x14280] =	vst v63  }
0x75: {  	s3 =	simm.s32 @!p0 $0x9  }
0x76: {  	_ =	swait.ge @!p0 [sflag:s3], $0x4000  }
0x77: {  	[sflag:s3] =	ssyncset.done @!p0 $0x0  }
0x78: {  	[sflag:s3] =	ssyncadd.s32 @!p0 $0xFFFFC000  }
0x79: {  	_ =	swait.ge [sflag:s19], $0x2000  }
0x7a: {  	[sflag:s19] =	ssyncset.done $0x0  }
0x7b: {  	[sflag:s19] =	ssyncadd.s32 $0xFFFFE000  }
0x7c: {  	v8 =	vld [tilespmem:s1+$0xFFFFFFF8];
	_ =	sdelay $0x4  }
0x7d: {  	(v2sf) =	vpush v8, $0x0;
	_ =	sdelay $0xe  }
0x7e: {  	s5 =	spop (v2sf)  }
0x7f: {  	s6 =	sshra.s32 s5, $0x1F  }
0x80: {  	s29 =	sshrl.u32 s6, $0x19  }
0x81: {  	s29 =	sadd.s32 s29, s5  }
0x82: {  	s29 =	sand.u32 $0xFFFFFF80, s29  }
0x83: {  	s29 =	ssub.s32 s5, s29  }
0x84: {  	s3 =	sand.u32 $0xF8, s2;
	v8 =	vadd.s32 s29, v0  }
0x85: {  	v9 =	vmov s3  }
0x86: {  	v10 =	vshll.u32 v9, $0x3  }
0x87: {  	v9 =	vand.u32 $0x78, v9;
	v10 =	vand.u32 $0x400, v10  }
0x88: {  	v9 =	vor.u32 v9, v10  }
0x89: {  	v10 =	vor.u32 v1, v9;
	v8 =	vld.idx.msk [tilespmem:v8+s11+$0x0], $0xffff  }
0x8a: {  	v11 =	vadd.s32 s29, v2;
	_ =	sdelay $0x3  }
0x8b: {  	[tilespmem:v10+s20+$0x0] =	vst.idx.msk $0xffff, v8  }
0x8c: {  	v63 =	vor.u32 v3, v9;
	v8 =	vld.idx.msk [tilespmem:v11+s11+$0x0], $0xffff  }
0x8d: {  	v12 =	vadd.s32 s29, v4;
	_ =	sdelay $0x3  }
0x8e: {  	[tilespmem:v63+s20+$0x0] =	vst.idx.msk $0xffff, v8  }
0x8f: {  	v13 =	vor.u32 v5, v9;
	v8 =	vld.idx.msk [tilespmem:v12+s11+$0x0], $0xffff  }
0x90: {  	v14 =	vadd.s32 s29, v6;
	_ =	sdelay $0x3  }
0x91: {  	[tilespmem:v13+s20+$0x0] =	vst.idx.msk $0xffff, v8  }
0x92: {  	v9 =	vor.u32 v7, v9;
	v8 =	vld.idx.msk [tilespmem:v14+s11+$0x0], $0xffff;
	_ =	sdelay $0x4  }
0x93: {  	p0 =	seq.s32 s2, $0x1F8;
	[tilespmem:v9+s20+$0x0] =	vst.idx.msk $0xffff, v8  }
0x94: {  	v8 =	vld @!p0 [tilespmem:s1+$0x0];
	_ =	sdelay $0x4  }
0x95: {  	(v2sf) =	vpush @!p0 v8, $0x0;
	_ =	sdelay $0xe  }
0x96: {  	s29 =	spop @!p0 (v2sf)  }
0x97: {  	s30 =	sshra.s32 @!p0 s29, $0x1F  }
0x98: {  	s30 =	sshrl.u32 @!p0 s30, $0x19  }
0x99: {  	s29 =	sadd.s32 @!p0 s30, s29  }
0x9a: {  	s6 =	simm.s32 @!p0 $0x280;
	s29 =	sand.u32 @!p0 $0xFFFFF80, s29  }
0x9b: {  	s30 =	simm.s32 @!p0 $0x7A1400;
	s5 =	sadd.s32 @!p0 s0, s29;
	s29 =	simm.s32 @!p0 $0x400  }
0x9c: {  	[tilespmem:s6], [sflag:$0x1] =	stream.strided.gather @!p0 [hbm4b:s5+s29], $0x2000, s30, s29, $0x38;
	[tilespmem:$0x14280] =	vst v63  }
0x9d: {  	_ =	swait.ge [sflag:s21], $0x2000  }
0x9e: {  	[sflag:s21] =	ssyncset.done $0x0  }
0x9f: {  	[sflag:s21] =	ssyncadd.s32 $0xFFFFE000  }
0xa0: {  	v8 =	vld [tilespmem:s1+$0xFFFFFFF9];
	_ =	sdelay $0x4  }
0xa1: {  	(v2sf) =	vpush v8, $0x0;
	_ =	sdelay $0xe  }
0xa2: {  	s5 =	spop (v2sf)  }
0xa3: {  	s6 =	sshra.s32 s5, $0x1F  }
0xa4: {  	s6 =	sshrl.u32 s6, $0x19  }
0xa5: {  	s6 =	sadd.s32 s6, s5  }
0xa6: {  	s6 =	sand.u32 $0xFFFFFF80, s6  }
0xa7: {  	s5 =	ssub.s32 s5, s6;
	s6 =	sadd.s32 $0x1, s2  }
0xa8: {  	s6 =	sand.u32 $0xF9, s6;
	v8 =	vadd.s32 s5, v0  }
0xa9: {  	v15 =	vmov s6  }
0xaa: {  	v16 =	vshll.u32 v15, $0x3  }
0xab: {  	v9 =	vand.u32 $0x79, v15;
	v10 =	vand.u32 $0x400, v16  }
0xac: {  	v9 =	vor.u32 v9, v10  }
0xad: {  	v8 =	vld.idx.msk [tilespmem:v8+s12+$0x0], $0xffff;
	v10 =	vor.u32 v1, v9  }
0xae: {  	v17 =	vadd.s32 s5, v2;
	_ =	sdelay $0x3  }
0xaf: {  	[tilespmem:v10+s20+$0x0] =	vst.idx.msk $0xffff, v8  }
0xb0: {  	v18 =	vor.u32 v3, v9;
	v8 =	vld.idx.msk [tilespmem:v17+s12+$0x0], $0xffff  }
0xb1: {  	v19 =	vadd.s32 s5, v4;
	_ =	sdelay $0x3  }
0xb2: {  	[tilespmem:v18+s20+$0x0] =	vst.idx.msk $0xffff, v8  }
0xb3: {  	v20 =	vor.u32 v5, v9;
	v8 =	vld.idx.msk [tilespmem:v19+s12+$0x0], $0xffff  }
0xb4: {  	v21 =	vadd.s32 s5, v6;
	_ =	sdelay $0x3  }
0xb5: {  	[tilespmem:v20+s20+$0x0] =	vst.idx.msk $0xffff, v8  }
0xb6: {  	v9 =	vor.u32 v7, v9;
	v8 =	vld.idx.msk [tilespmem:v21+s12+$0x0], $0xffff;
	_ =	sdelay $0x4  }
0xb7: {  	[tilespmem:v9+s20+$0x0] =	vst.idx.msk $0xffff, v8  }
0xb8: {  	v8 =	vld @!p0 [tilespmem:s1+$0x1];
	_ =	sdelay $0x4  }
0xb9: {  	(v2sf) =	vpush @!p0 v8, $0x0;
	_ =	sdelay $0xe  }
0xba: {  	s5 =	spop @!p0 (v2sf)  }
0xbb: {  	s6 =	sshra.s32 @!p0 s5, $0x1F  }
0xbc: {  	s6 =	sshrl.u32 @!p0 s6, $0x19  }
0xbd: {  	s5 =	sadd.s32 @!p0 s6, s5  }
0xbe: {  	s5 =	sand.u32 @!p0 $0xFFFFF80, s5  }
0xbf: {  	s6 =	simm.s32 @!p0 $0x2280;
	s5 =	sadd.s32 @!p0 s0, s5  }
0xc0: {  	[tilespmem:s6], [sflag:$0x2] =	stream.strided.gather @!p0 [hbm4b:s5+s29], $0x2000, s30, s29, $0x38;
	[tilespmem:$0x14280] =	vst v63  }
0xc1: {  	_ =	swait.ge [sflag:s22], $0x2000  }
0xc2: {  	[sflag:s22] =	ssyncset.done $0x0  }
0xc3: {  	[sflag:s22] =	ssyncadd.s32 $0xFFFFE000  }
0xc4: {  	v8 =	vld [tilespmem:s1+$0xFFFFFFFA];
	_ =	sdelay $0x4  }
0xc5: {  	(v2sf) =	vpush v8, $0x0;
	_ =	sdelay $0xe  }
0xc6: {  	s5 =	spop (v2sf)  }
0xc7: {  	s6 =	sshra.s32 s5, $0x1F  }
0xc8: {  	s6 =	sshrl.u32 s6, $0x19  }
0xc9: {  	s6 =	sadd.s32 s6, s5  }
0xca: {  	s6 =	sand.u32 $0xFFFFFF80, s6  }
0xcb: {  	s5 =	ssub.s32 s5, s6;
	s6 =	sadd.s32 $0x2, s2  }
0xcc: {  	s6 =	sand.u32 $0xFA, s6;
	v8 =	vadd.s32 s5, v0  }
0xcd: {  	v22 =	vmov s6  }
0xce: {  	v23 =	vshll.u32 v22, $0x3  }
0xcf: {  	v9 =	vand.u32 $0x7A, v22;
	v10 =	vand.u32 $0x400, v23  }
0xd0: {  	v9 =	vor.u32 v9, v10  }
0xd1: {  	v8 =	vld.idx.msk [tilespmem:v8+s13+$0x0], $0xffff;
	v10 =	vor.u32 v1, v9  }
0xd2: {  	v24 =	vadd.s32 s5, v2;
	_ =	sdelay $0x3  }
0xd3: {  	[tilespmem:v10+s20+$0x0] =	vst.idx.msk $0xffff, v8  }
0xd4: {  	v25 =	vor.u32 v3, v9;
	v8 =	vld.idx.msk [tilespmem:v24+s13+$0x0], $0xffff  }
0xd5: {  	v26 =	vadd.s32 s5, v4;
	_ =	sdelay $0x3  }
0xd6: {  	[tilespmem:v25+s20+$0x0] =	vst.idx.msk $0xffff, v8  }
0xd7: {  	v27 =	vor.u32 v5, v9;
	v8 =	vld.idx.msk [tilespmem:v26+s13+$0x0], $0xffff  }
0xd8: {  	v28 =	vadd.s32 s5, v6;
	_ =	sdelay $0x3  }
0xd9: {  	[tilespmem:v27+s20+$0x0] =	vst.idx.msk $0xffff, v8  }
0xda: {  	v9 =	vor.u32 v7, v9;
	v8 =	vld.idx.msk [tilespmem:v28+s13+$0x0], $0xffff;
	_ =	sdelay $0x4  }
0xdb: {  	[tilespmem:v9+s20+$0x0] =	vst.idx.msk $0xffff, v8  }
0xdc: {  	v8 =	vld @!p0 [tilespmem:s1+$0x2];
	_ =	sdelay $0x4  }
0xdd: {  	(v2sf) =	vpush @!p0 v8, $0x0;
	_ =	sdelay $0xe  }
0xde: {  	s5 =	spop @!p0 (v2sf)  }
0xdf: {  	s6 =	sshra.s32 @!p0 s5, $0x1F  }
0xe0: {  	s6 =	sshrl.u32 @!p0 s6, $0x19  }
0xe1: {  	s5 =	sadd.s32 @!p0 s6, s5  }
0xe2: {  	s5 =	sand.u32 @!p0 $0xFFFFF80, s5  }
0xe3: {  	s6 =	simm.s32 @!p0 $0x4280;
	s5 =	sadd.s32 @!p0 s0, s5  }
0xe4: {  	[tilespmem:s6], [sflag:$0x3] =	stream.strided.gather @!p0 [hbm4b:s5+s29], $0x2000, s30, s29, $0x38;
	[tilespmem:$0x14280] =	vst v63  }
0xe5: {  	_ =	swait.ge [sflag:s23], $0x2000  }
0xe6: {  	[sflag:s23] =	ssyncset.done $0x0  }
0xe7: {  	[sflag:s23] =	ssyncadd.s32 $0xFFFFE000  }
0xe8: {  	v8 =	vld [tilespmem:s1+$0xFFFFFFFB];
	_ =	sdelay $0x4  }
0xe9: {  	(v2sf) =	vpush v8, $0x0;
	_ =	sdelay $0xe  }
0xea: {  	s5 =	spop (v2sf)  }
0xeb: {  	s6 =	sshra.s32 s5, $0x1F  }
0xec: {  	s6 =	sshrl.u32 s6, $0x19  }
0xed: {  	s6 =	sadd.s32 s6, s5  }
0xee: {  	s6 =	sand.u32 $0xFFFFFF80, s6  }
0xef: {  	s5 =	ssub.s32 s5, s6;
	s6 =	sadd.s32 $0x3, s2  }
0xf0: {  	s6 =	sand.u32 $0xFB, s6;
	v8 =	vadd.s32 s5, v0  }
0xf1: {  	v29 =	vmov s6  }
0xf2: {  	v30 =	vshll.u32 v29, $0x3  }
0xf3: {  	v9 =	vand.u32 $0x7B, v29;
	v10 =	vand.u32 $0x400, v30  }
0xf4: {  	v9 =	vor.u32 v9, v10  }
0xf5: {  	v8 =	vld.idx.msk [tilespmem:v8+s14+$0x0], $0xffff;
	v10 =	vor.u32 v1, v9  }
0xf6: {  	v31 =	vadd.s32 s5, v2;
	_ =	sdelay $0x3  }
0xf7: {  	[tilespmem:v10+s20+$0x0] =	vst.idx.msk $0xffff, v8  }
0xf8: {  	v32 =	vor.u32 v3, v9;
	v8 =	vld.idx.msk [tilespmem:v31+s14+$0x0], $0xffff  }
0xf9: {  	v33 =	vadd.s32 s5, v4;
	_ =	sdelay $0x3  }
0xfa: {  	[tilespmem:v32+s20+$0x0] =	vst.idx.msk $0xffff, v8  }
0xfb: {  	v34 =	vor.u32 v5, v9;
	v8 =	vld.idx.msk [tilespmem:v33+s14+$0x0], $0xffff  }
0xfc: {  	v35 =	vadd.s32 s5, v6;
	_ =	sdelay $0x3  }
0xfd: {  	[tilespmem:v34+s20+$0x0] =	vst.idx.msk $0xffff, v8  }
0xfe: {  	v9 =	vor.u32 v7, v9;
	v8 =	vld.idx.msk [tilespmem:v35+s14+$0x0], $0xffff;
	_ =	sdelay $0x4  }
0xff: {  	[tilespmem:v9+s20+$0x0] =	vst.idx.msk $0xffff, v8  }
0x100: {  	v8 =	vld @!p0 [tilespmem:s1+$0x3];
	_ =	sdelay $0x4  }
0x101: {  	(v2sf) =	vpush @!p0 v8, $0x0;
	_ =	sdelay $0xe  }
0x102: {  	s5 =	spop @!p0 (v2sf)  }
0x103: {  	s6 =	sshra.s32 @!p0 s5, $0x1F  }
0x104: {  	s6 =	sshrl.u32 @!p0 s6, $0x19  }
0x105: {  	s5 =	sadd.s32 @!p0 s6, s5  }
0x106: {  	s5 =	sand.u32 @!p0 $0xFFFFF80, s5  }
0x107: {  	s6 =	simm.s32 @!p0 $0x6280;
	s5 =	sadd.s32 @!p0 s0, s5  }
0x108: {  	[tilespmem:s6], [sflag:$0x4] =	stream.strided.gather @!p0 [hbm4b:s5+s29], $0x2000, s30, s29, $0x38;
	[tilespmem:$0x14280] =	vst v63  }
0x109: {  	_ =	swait.ge [sflag:s24], $0x2000  }
0x10a: {  	[sflag:s24] =	ssyncset.done $0x0  }
0x10b: {  	[sflag:s24] =	ssyncadd.s32 $0xFFFFE000  }
0x10c: {  	v8 =	vld [tilespmem:s1+$0xFFFFFFFC];
	_ =	sdelay $0x4  }
0x10d: {  	(v2sf) =	vpush v8, $0x0;
	_ =	sdelay $0xe  }
0x10e: {  	s5 =	spop (v2sf)  }
0x10f: {  	s6 =	sshra.s32 s5, $0x1F  }
0x110: {  	s6 =	sshrl.u32 s6, $0x19  }
0x111: {  	s6 =	sadd.s32 s6, s5  }
0x112: {  	s6 =	sand.u32 $0xFFFFFF80, s6  }
0x113: {  	s5 =	ssub.s32 s5, s6;
	s6 =	sadd.s32 $0x4, s2  }
0x114: {  	s6 =	sand.u32 $0xFC, s6;
	v8 =	vadd.s32 s5, v0  }
0x115: {  	v36 =	vmov s6  }
0x116: {  	v37 =	vshll.u32 v36, $0x3  }
0x117: {  	v9 =	vand.u32 $0x7C, v36;
	v10 =	vand.u32 $0x400, v37  }
0x118: {  	v9 =	vor.u32 v9, v10  }
0x119: {  	v8 =	vld.idx.msk [tilespmem:v8+s15+$0x0], $0xffff;
	v10 =	vor.u32 v1, v9  }
0x11a: {  	v38 =	vadd.s32 s5, v2;
	_ =	sdelay $0x3  }
0x11b: {  	[tilespmem:v10+s20+$0x0] =	vst.idx.msk $0xffff, v8  }
0x11c: {  	v39 =	vor.u32 v3, v9;
	v8 =	vld.idx.msk [tilespmem:v38+s15+$0x0], $0xffff  }
0x11d: {  	v40 =	vadd.s32 s5, v4;
	_ =	sdelay $0x3  }
0x11e: {  	[tilespmem:v39+s20+$0x0] =	vst.idx.msk $0xffff, v8  }
0x11f: {  	v41 =	vor.u32 v5, v9;
	v8 =	vld.idx.msk [tilespmem:v40+s15+$0x0], $0xffff  }
0x120: {  	v42 =	vadd.s32 s5, v6;
	_ =	sdelay $0x3  }
0x121: {  	[tilespmem:v41+s20+$0x0] =	vst.idx.msk $0xffff, v8  }
0x122: {  	v9 =	vor.u32 v7, v9;
	v8 =	vld.idx.msk [tilespmem:v42+s15+$0x0], $0xffff;
	_ =	sdelay $0x4  }
0x123: {  	[tilespmem:v9+s20+$0x0] =	vst.idx.msk $0xffff, v8  }
0x124: {  	v8 =	vld @!p0 [tilespmem:s1+$0x4];
	_ =	sdelay $0x4  }
0x125: {  	(v2sf) =	vpush @!p0 v8, $0x0;
	_ =	sdelay $0xe  }
0x126: {  	s5 =	spop @!p0 (v2sf)  }
0x127: {  	s6 =	sshra.s32 @!p0 s5, $0x1F  }
0x128: {  	s6 =	sshrl.u32 @!p0 s6, $0x19  }
0x129: {  	s5 =	sadd.s32 @!p0 s6, s5  }
0x12a: {  	s5 =	sand.u32 @!p0 $0xFFFFF80, s5  }
0x12b: {  	s6 =	simm.s32 @!p0 $0x8280;
	s5 =	sadd.s32 @!p0 s0, s5  }
0x12c: {  	[tilespmem:s6], [sflag:$0x5] =	stream.strided.gather @!p0 [hbm4b:s5+s29], $0x2000, s30, s29, $0x38;
	[tilespmem:$0x14280] =	vst v63  }
0x12d: {  	_ =	swait.ge [sflag:s25], $0x2000  }
0x12e: {  	[sflag:s25] =	ssyncset.done $0x0  }
0x12f: {  	[sflag:s25] =	ssyncadd.s32 $0xFFFFE000  }
0x130: {  	v8 =	vld [tilespmem:s1+$0xFFFFFFFD];
	_ =	sdelay $0x4  }
0x131: {  	(v2sf) =	vpush v8, $0x0;
	_ =	sdelay $0xe  }
0x132: {  	s5 =	spop (v2sf)  }
0x133: {  	s6 =	sshra.s32 s5, $0x1F  }
0x134: {  	s6 =	sshrl.u32 s6, $0x19  }
0x135: {  	s6 =	sadd.s32 s6, s5  }
0x136: {  	s6 =	sand.u32 $0xFFFFFF80, s6  }
0x137: {  	s5 =	ssub.s32 s5, s6;
	s6 =	sadd.s32 $0x5, s2  }
0x138: {  	s6 =	sand.u32 $0xFD, s6;
	v8 =	vadd.s32 s5, v0  }
0x139: {  	v43 =	vmov s6  }
0x13a: {  	v44 =	vshll.u32 v43, $0x3  }
0x13b: {  	v9 =	vand.u32 $0x7D, v43;
	v10 =	vand.u32 $0x400, v44  }
0x13c: {  	v9 =	vor.u32 v9, v10  }
0x13d: {  	v8 =	vld.idx.msk [tilespmem:v8+s16+$0x0], $0xffff;
	v10 =	vor.u32 v1, v9  }
0x13e: {  	v45 =	vadd.s32 s5, v2;
	_ =	sdelay $0x3  }
0x13f: {  	[tilespmem:v10+s20+$0x0] =	vst.idx.msk $0xffff, v8  }
0x140: {  	v46 =	vor.u32 v3, v9;
	v8 =	vld.idx.msk [tilespmem:v45+s16+$0x0], $0xffff  }
0x141: {  	v47 =	vadd.s32 s5, v4;
	_ =	sdelay $0x3  }
0x142: {  	[tilespmem:v46+s20+$0x0] =	vst.idx.msk $0xffff, v8  }
0x143: {  	v48 =	vor.u32 v5, v9;
	v8 =	vld.idx.msk [tilespmem:v47+s16+$0x0], $0xffff  }
0x144: {  	v49 =	vadd.s32 s5, v6;
	_ =	sdelay $0x3  }
0x145: {  	[tilespmem:v48+s20+$0x0] =	vst.idx.msk $0xffff, v8  }
0x146: {  	v9 =	vor.u32 v7, v9;
	v8 =	vld.idx.msk [tilespmem:v49+s16+$0x0], $0xffff;
	_ =	sdelay $0x4  }
0x147: {  	[tilespmem:v9+s20+$0x0] =	vst.idx.msk $0xffff, v8  }
0x148: {  	v8 =	vld @!p0 [tilespmem:s1+$0x5];
	_ =	sdelay $0x4  }
0x149: {  	(v2sf) =	vpush @!p0 v8, $0x0;
	_ =	sdelay $0xe  }
0x14a: {  	s5 =	spop @!p0 (v2sf)  }
0x14b: {  	s6 =	sshra.s32 @!p0 s5, $0x1F  }
0x14c: {  	s6 =	sshrl.u32 @!p0 s6, $0x19  }
0x14d: {  	s5 =	sadd.s32 @!p0 s6, s5  }
0x14e: {  	s5 =	sand.u32 @!p0 $0xFFFFF80, s5  }
0x14f: {  	s6 =	simm.s32 @!p0 $0xA280;
	s5 =	sadd.s32 @!p0 s0, s5  }
0x150: {  	[tilespmem:s6], [sflag:$0x6] =	stream.strided.gather @!p0 [hbm4b:s5+s29], $0x2000, s30, s29, $0x38;
	[tilespmem:$0x14280] =	vst v63  }
0x151: {  	_ =	swait.ge [sflag:s26], $0x2000  }
0x152: {  	[sflag:s26] =	ssyncset.done $0x0  }
0x153: {  	[sflag:s26] =	ssyncadd.s32 $0xFFFFE000  }
0x154: {  	v8 =	vld [tilespmem:s1+$0xFFFFFFFE];
	_ =	sdelay $0x4  }
0x155: {  	(v2sf) =	vpush v8, $0x0;
	_ =	sdelay $0xe  }
0x156: {  	s5 =	spop (v2sf)  }
0x157: {  	s6 =	sshra.s32 s5, $0x1F  }
0x158: {  	s6 =	sshrl.u32 s6, $0x19  }
0x159: {  	s6 =	sadd.s32 s6, s5  }
0x15a: {  	s6 =	sand.u32 $0xFFFFFF80, s6  }
0x15b: {  	s5 =	ssub.s32 s5, s6;
	s6 =	sadd.s32 $0x6, s2  }
0x15c: {  	s6 =	sand.u32 $0xFE, s6;
	v8 =	vadd.s32 s5, v0  }
0x15d: {  	v50 =	vmov s6  }
0x15e: {  	v51 =	vshll.u32 v50, $0x3  }
0x15f: {  	v9 =	vand.u32 $0x7E, v50;
	v10 =	vand.u32 $0x400, v51  }
0x160: {  	v9 =	vor.u32 v9, v10  }
0x161: {  	v8 =	vld.idx.msk [tilespmem:v8+s17+$0x0], $0xffff;
	v10 =	vor.u32 v1, v9  }
0x162: {  	v52 =	vadd.s32 s5, v2;
	_ =	sdelay $0x3  }
0x163: {  	[tilespmem:v10+s20+$0x0] =	vst.idx.msk $0xffff, v8  }
0x164: {  	v53 =	vor.u32 v3, v9;
	v8 =	vld.idx.msk [tilespmem:v52+s17+$0x0], $0xffff  }
0x165: {  	v54 =	vadd.s32 s5, v4;
	_ =	sdelay $0x3  }
0x166: {  	[tilespmem:v53+s20+$0x0] =	vst.idx.msk $0xffff, v8  }
0x167: {  	v55 =	vor.u32 v5, v9;
	v8 =	vld.idx.msk [tilespmem:v54+s17+$0x0], $0xffff  }
0x168: {  	v56 =	vadd.s32 s5, v6;
	_ =	sdelay $0x3  }
0x169: {  	[tilespmem:v55+s20+$0x0] =	vst.idx.msk $0xffff, v8  }
0x16a: {  	v9 =	vor.u32 v7, v9;
	v8 =	vld.idx.msk [tilespmem:v56+s17+$0x0], $0xffff;
	_ =	sdelay $0x4  }
0x16b: {  	[tilespmem:v9+s20+$0x0] =	vst.idx.msk $0xffff, v8  }
0x16c: {  	v8 =	vld @!p0 [tilespmem:s1+$0x6];
	_ =	sdelay $0x4  }
0x16d: {  	(v2sf) =	vpush @!p0 v8, $0x0;
	_ =	sdelay $0xe  }
0x16e: {  	s5 =	spop @!p0 (v2sf)  }
0x16f: {  	s6 =	sshra.s32 @!p0 s5, $0x1F  }
0x170: {  	s6 =	sshrl.u32 @!p0 s6, $0x19  }
0x171: {  	s5 =	sadd.s32 @!p0 s6, s5  }
0x172: {  	s5 =	sand.u32 @!p0 $0xFFFFF80, s5  }
0x173: {  	s6 =	simm.s32 @!p0 $0xC280;
	s5 =	sadd.s32 @!p0 s0, s5  }
0x174: {  	[tilespmem:s6], [sflag:$0x7] =	stream.strided.gather @!p0 [hbm4b:s5+s29], $0x2000, s30, s29, $0x38;
	[tilespmem:$0x14280] =	vst v63  }
0x175: {  	_ =	swait.ge [sflag:s28], $0x2000  }
0x176: {  	[sflag:s28] =	ssyncset.done $0x0  }
0x177: {  	[sflag:s28] =	ssyncadd.s32 $0xFFFFE000  }
0x178: {  	v8 =	vld [tilespmem:s1+$0xFFFFFFFF];
	_ =	sdelay $0x4  }
0x179: {  	(v2sf) =	vpush v8, $0x0;
	_ =	sdelay $0xe  }
0x17a: {  	s29 =	spop (v2sf)  }
0x17b: {  	s30 =	sshra.s32 s29, $0x1F  }
0x17c: {  	s6 =	sshrl.u32 s30, $0x19  }
0x17d: {  	s6 =	sadd.s32 s6, s29  }
0x17e: {  	s6 =	sand.u32 $0xFFFFFF80, s6  }
0x17f: {  	s5 =	ssub.s32 s29, s6  }
0x180: {  	s3 =	sor.u32 $0x7, s3;
	v8 =	vadd.s32 s5, v0  }
0x181: {  	v57 =	vmov s3  }
0x182: {  	v58 =	vshll.u32 v57, $0x3  }
0x183: {  	v10 =	vand.u32 $0x400, v58;
	v9 =	vand.u32 $0x7F, v57  }
0x184: {  	v9 =	vor.u32 v9, v10  }
0x185: {  	v10 =	vor.u32 v1, v9;
	v8 =	vld.idx.msk [tilespmem:v8+s18+$0x0], $0xffff  }
0x186: {  	v59 =	vadd.s32 s5, v2;
	_ =	sdelay $0x3  }
0x187: {  	[tilespmem:v10+s20+$0x0] =	vst.idx.msk $0xffff, v8  }
0x188: {  	v60 =	vor.u32 v3, v9;
	v8 =	vld.idx.msk [tilespmem:v59+s18+$0x0], $0xffff  }
0x189: {  	v61 =	vadd.s32 s5, v4;
	_ =	sdelay $0x3  }
0x18a: {  	[tilespmem:v60+s20+$0x0] =	vst.idx.msk $0xffff, v8  }
0x18b: {  	v62 =	vor.u32 v5, v9;
	v8 =	vld.idx.msk [tilespmem:v61+s18+$0x0], $0xffff  }
0x18c: {  	v63 =	vadd.s32 s5, v6;
	_ =	sdelay $0x3  }
0x18d: {  	[tilespmem:v62+s20+$0x0] =	vst.idx.msk $0xffff, v8  }
0x18e: {  	v9 =	vor.u32 v7, v9;
	v8 =	vld.idx.msk [tilespmem:v63+s18+$0x0], $0xffff  }
.Ltmp2:
0x18f: {  	_ = 	snop;
	(pc) =	sbr.rel @p0 .LBB2_4-.Ltmp2, $2  }
0x190: {  	_ =	sdelay $0x2  }
0x191: {  	[tilespmem:v9+s20+$0x0] =	vst.idx.msk $0xffff, v8  }
0x192: {  	v8 =	vld [tilespmem:s1+$0x7];
	_ =	sdelay $0x4  }
0x193: {  	(v2sf) =	vpush v8, $0x0;
	_ =	sdelay $0xe  }
0x194: {  	s3 =	spop (v2sf)  }
0x195: {  	s5 =	sshra.s32 s3, $0x1F  }
.Ltmp3:
0x196: {  	s5 =	sshrl.u32 s5, $0x19;
	(pc) =	sbr.rel .LBB2_2-.Ltmp3, $4  }
0x197: {  	s3 =	sadd.s32 s5, s3  }
0x198: {  	s3 =	sand.u32 $0xFFFFF80, s3  }
0x199: {  	s2 =	sadd.s32 $0x8, s2;
	s1 =	sadd.s32 $0x8, s1;
	s3 =	sadd.s32 s0, s3  }
0x19a: {  	[tilespmem:s18], [sflag:$0x8] =	stream.strided.gather [hbm4b:s3+s10], $0x2000, s9, s10, $0x38;
	[tilespmem:$0x14280] =	vst v63  }
.LBB2_5:
0x19b: {  	_ =	sfence.sel $0x180000  }
0x19c: {  	[bflag:$0x0] =	sbarrier.arrive $0xFFFF  }
0x19d: {  	_ =	strace $0x90000047  }
0x19e: {  	s0 =	stileid.u32;
	[bflag:$0x2] =	sbarrier.arrive $0xFFFF  }
0x19f: {  	p0 =	sne.s32 s0, $0x0;
	s0 =	rddreg [dreg:$0x3]  }
0x1a0: {  	s0 =	sadd.s32 @!p0 $0x100000, s0  }
0x1a1: {  	[sflag:s0] =	ssyncadd.tile.s32 @!p0 $0x1;
	_ =	shalt  }
.Lfunc_end2:
_tile_overlayer_lowered:
.L_overlay_start_2:
0x1a2: {  	(tag) =	ssettag $0x2  }
0x1a3: {  	s0 =	rddreg [dreg:$0x0];
	s2 =	stileid.u32  }
0x1a4: {  	s1 =	rddreg [dreg:$0x1];
	p0 =	sne.s32 s2, $0x0  }
0x1a5: {  	s3 =	rddreg [dreg:$0x2];
	[bflag:$0x3] =	sbarrier.arrive $0xFFFF;
	s2 =	simm.s32 @!p0 $0x1C09  }
0x1a6: {  	[timem:s3], [sflag:s2] =	dma.local @!p0 [hbm:s0], s1  }
0x1a7: {  	s0 =	simm.s32 @!p0 $0x9  }
0x1a8: {  	_ =	swait.ge @!p0 [sflag:s0], s1  }
0x1a9: {  	s1 =	ssub.s32 @!p0 $0x0, s1;
	[sflag:s0] =	ssyncset.done @!p0 $0x0  }
0x1aa: {  	[sflag:s0] =	ssyncadd.s32 @!p0 s1  }
0x1ab: {  	[bflag:$0x3] =	sbarrier.arrive $0xFFFF  }
0x1ac: {  	_ =	shalt  }

</sc_bundles>
